<compile_context>
chip_gen: v7x
topology: tpu7x:2x2x1
jax: 0.10.2.dev20260603
libtpu: 0.0.44.dev20260713+nightly
codegen_flags: <defaults>
</compile_context>

<pallas_src>
import functools

import jax
import jax.numpy as jnp
from jax import lax
from jax.experimental import pallas as pl
from jax.experimental.pallas import tpu as pltpu
from jax.experimental.pallas import tpu_sc as plsc

N = 10000
C = 128
E = 320000

NC = 2
NS = 16
NW = NC * NS
R = 80
EPAD = NW * R * 128
NPAD = 10240
STRIPE = NPAD // NS
NBUF = 4

_MESH = plsc.VectorSubcoreMesh(core_axis_name="c", subcore_axis_name="s")


@functools.partial(
    pl.kernel,
    out_type=jax.ShapeDtypeStruct((NC, NPAD), jnp.float32),
    mesh=_MESH,
    scratch_types=[
        pltpu.VMEM((R, 128), jnp.int32),
        pltpu.VMEM((128,), jnp.float32),
        pltpu.VMEM_SHARED((NPAD,), jnp.float32),
    ],
)
def _deg_kernel(dst_hbm, z_hbm, out_hbm, dst_v, ones_v, deg_sh):
    c = lax.axis_index("c")
    s = lax.axis_index("s")
    w = s * NC + c
    pltpu.sync_copy(z_hbm, deg_sh.at[pl.ds(s * STRIPE, STRIPE)])

    def set_ones(i, carry):
        ones_v[pl.ds(i * 16, 16)] = jnp.ones((16,), jnp.float32)
        return carry

    lax.fori_loop(0, 128 // 16, set_ones, 0)
    pltpu.sync_copy(dst_hbm.at[w], dst_v)
    plsc.subcore_barrier()

    def body(g, carry):
        pltpu.sync_copy(ones_v, deg_sh.at[dst_v.at[g]], add=True)
        return carry

    lax.fori_loop(0, R, body, 0)
    plsc.subcore_barrier()
    pltpu.sync_copy(
        deg_sh.at[pl.ds(s * STRIPE, STRIPE)],
        out_hbm.at[c, pl.ds(s * STRIPE, STRIPE)],
    )


CH = C // NC
R2 = EPAD // 128 // NS


@functools.partial(
    pl.kernel,
    out_type=jax.ShapeDtypeStruct((NC, NPAD, CH), jnp.float32),
    mesh=_MESH,
    scratch_types=[
        pltpu.VMEM((R2, 128), jnp.int32),
        pltpu.VMEM((R2, 128), jnp.int32),
    ] + [pltpu.VMEM((128, CH), jnp.float32)] * 5
      + [pltpu.VMEM_SHARED((NPAD, CH), jnp.float32)]
      + [pltpu.SemaphoreType.DMA] * 10,
    compiler_params=pltpu.CompilerParams(use_tc_tiling_on_sc=False),
)
def _agg_kernel(y2_hbm, idx2_hbm, dst_hbm, zz_hbm, out_hbm,
                idx_v, dst_v, *rest):
    c = lax.axis_index("c")
    s = lax.axis_index("s")
    bufs = list(rest[0:5])
    acc_sh = rest[5]
    gsems = list(rest[6:11])
    ssems = list(rest[11:16])
    NB = 5
    AHEAD = 3

    pltpu.sync_copy(zz_hbm, acc_sh.at[pl.ds(s * STRIPE, STRIPE)])
    pltpu.sync_copy(idx2_hbm.at[c, s], idx_v)
    pltpu.sync_copy(dst_hbm.at[s], dst_v)
    plsc.subcore_barrier()

    def gather(g, slot):
        pltpu.async_copy(y2_hbm.at[idx_v.at[g]], bufs[slot], gsems[slot])

    def gather_wait(g, slot):
        pltpu.make_async_copy(
            y2_hbm.at[idx_v.at[g]], bufs[slot], gsems[slot]).wait()

    def scatter(g, slot):
        pltpu.async_copy(
            bufs[slot], acc_sh.at[dst_v.at[g]], ssems[slot], add=True)

    def scatter_wait(g, slot):
        pltpu.make_async_copy(
            bufs[slot], acc_sh.at[dst_v.at[g]], ssems[slot]).wait()

    for b in range(AHEAD):
        gather(b, b)

    def outer(i, carry):
        base = i * NB
        for b in range(NB):
            g = base + b
            gather_wait(g, b)
            scatter(g, b)
            @pl.when(g + AHEAD < R2)
            def _():
                @pl.when(g >= NB - AHEAD)
                def _():
                    scatter_wait(g - (NB - AHEAD), (b + AHEAD) % NB)

                gather(g + AHEAD, (b + AHEAD) % NB)
        return carry

    lax.fori_loop(0, R2 // NB, outer, 0)
    for b in range(NB):
        scatter_wait(R2 - NB + b, b)
    plsc.subcore_barrier()
    pltpu.sync_copy(
        acc_sh.at[pl.ds(s * STRIPE, STRIPE)],
        out_hbm.at[c, pl.ds(s * STRIPE, STRIPE)],
    )


BLK = 2000


def _prescale_body(feats_ref, w_ref, degs_ref, y_ref):
    deg = degs_ref[:, 0:1] + degs_ref[:, 1:2] + 1.0
    dinv = lax.rsqrt(deg)
    x = jnp.dot(feats_ref[...], w_ref[...], preferred_element_type=jnp.float32)
    y_ref[...] = x * dinv


def _final_body(accs_ref, y_ref, degs_ref, b_ref, out_ref):
    acc = jnp.concatenate([accs_ref[0], accs_ref[1]], axis=-1)
    deg = degs_ref[:, 0:1] + degs_ref[:, 1:2] + 1.0
    dinv = lax.rsqrt(deg)
    out = dinv * (acc + y_ref[...]) + b_ref[0, :][None, :]
    out_ref[...] = jnp.maximum(out, 0.0)


def kernel(feats, edges, W, b):
    src = edges[0].astype(jnp.int32)
    dst = edges[1].astype(jnp.int32)
    npad_e = EPAD - E
    src_p = jnp.concatenate([src, jnp.zeros((npad_e,), jnp.int32)])
    dst_p = jnp.concatenate([dst, jnp.full((npad_e,), N, jnp.int32)])
    dst_t = dst_p.reshape(NW, R, 128)
    dst_t2 = dst_p.reshape(NS, R2, 128)
    src2 = (src_p * 2).reshape(NS, R2, 128)
    idx2 = jnp.stack([src2, src2 + 1], axis=0)
    z1 = jnp.zeros((STRIPE,), jnp.float32)
    zz = jnp.zeros((STRIPE, CH), jnp.float32)

    degs = _deg_kernel(dst_t, z1)
    degs_t = jnp.transpose(degs)

    y = pl.pallas_call(
        _prescale_body,
        grid=(N // BLK,),
        in_specs=[
            pl.BlockSpec((BLK, C), lambda i: (i, 0)),
            pl.BlockSpec((C, C), lambda i: (0, 0)),
            pl.BlockSpec((BLK, 2), lambda i: (i, 0)),
        ],
        out_specs=pl.BlockSpec((BLK, C), lambda i: (i, 0)),
        out_shape=jax.ShapeDtypeStruct((N, C), jnp.float32),
    )(feats, W, degs_t)

    y2 = y.reshape(2 * N, CH)
    accs = _agg_kernel(y2, idx2, dst_t2, zz)

    out = pl.pallas_call(
        _final_body,
        grid=(N // BLK,),
        in_specs=[
            pl.BlockSpec((2, BLK, CH), lambda i: (0, i, 0)),
            pl.BlockSpec((BLK, C), lambda i: (i, 0)),
            pl.BlockSpec((BLK, 2), lambda i: (i, 0)),
            pl.BlockSpec((1, C), lambda i: (0, 0)),
        ],
        out_specs=pl.BlockSpec((BLK, C), lambda i: (i, 0)),
        out_shape=jax.ShapeDtypeStruct((N, C), jnp.float32),
    )(accs, y, degs_t, b.reshape(1, C))
    return out

# --- scband reference (transcript-rebuilt; emitter-appended) ---
"""Pipeline reference for scband-gcnencoder-30700426232008 (READ-ONLY COPY).

The authoritative reference and input builder live on the scoring server;
editing this copy changes nothing except your own understanding.
"""

import jax, jax.numpy as jnp
import numpy as np

N_NODES = 10000
N_EDGES = 320000
IN_CH = 128
HID_CH = 128


def setup_inputs(seed: int = 0) -> dict:
    key = jax.random.key(seed)
    k1, k2, k3, k4 = jax.random.split(key, 4)
    feats = jax.random.normal(k1, (N_NODES, IN_CH), dtype=jnp.float32)
    edges = jax.random.randint(k2, (2, N_EDGES), 0, N_NODES, dtype=jnp.int64)
    # GCNConv parameters: weight [in, out] (glorot), bias [out] (zeros in PyG; use small random here)
    limit = float(np.sqrt(6.0 / (IN_CH + HID_CH)))
    W = jax.random.uniform(k3, (IN_CH, HID_CH), minval=-limit, maxval=limit, dtype=jnp.float32)
    b = jax.random.normal(k4, (HID_CH,), dtype=jnp.float32) * 0.01
    return {"feats": feats, "edges": edges, "W": W, "b": b}


def reference(feats, edges, W, b):
    # Faithful GCNConv (Kipf & Welling) with self-loops and symmetric normalization,
    # followed by ReLU. Dropout is identity in eval mode.
    N = feats.shape[0]
    src = edges[0]
    dst = edges[1]
    loop = jnp.arange(N, dtype=edges.dtype)
    src = jnp.concatenate([src, loop], axis=0)
    dst = jnpp_concat(dst, loop) if False else jnp.concatenate([dst, loop], axis=0)
    # degree computed on destination nodes (PyG convention with edge weight 1)
    deg = jnp.zeros((N,), dtype=jnp.float32).at[dst].add(1.0)
    deg_inv_sqrt = jnp.where(deg > 0, jax.lax.rsqrt(deg), 0.0)
    norm = deg_inv_sqrt[src] * deg_inv_sqrt[dst]
    x = feats @ W
    msgs = x[src] * norm[:, None]
    out = jnp.zeros((N, x.shape[1]), dtype=x.dtype).at[dst].add(msgs)
    out = out + b
    h = jax.nn.relu(out)
    return h

if __name__ == "__main__":
    import jax
    _d = setup_inputs()
    print(jax.jit(kernel)(*tuple(_d.values())))

</pallas_src>

<mosaic_0001>
#map = affine_map<(d0, d1) -> (0, 0, 0)>
#map1 = affine_map<(d0, d1) -> (0)>
#map2 = affine_map<(d0, d1) -> (0, 0)>
module attributes {stable_mosaic.version = 14 : i64} {
  func.func @_deg_kernel(%arg0: i32, %arg1: i32, %arg2: memref<32x80x128xi32, #tpu.memory_space<hbm>>, %arg3: memref<640xf32, #tpu.memory_space<hbm>>, %arg4: memref<2x10240xf32, #tpu.memory_space<hbm>>, %arg5: memref<80x128xi32, #tpu.memory_space<vmem>>, %arg6: memref<128xf32, #tpu.memory_space<vmem>>, %arg7: memref<10240xf32, #tpu.memory_space<vmem_shared>>) attributes {dimension_semantics = [#tpu.dimension_semantics<core_parallel>, #tpu.dimension_semantics<subcore_parallel>], iteration_bounds = array<i64: 2, 16>, scalar_prefetch = 0 : i64, scratch_operands = 3 : i64, tpu.core_type = #tpu.core_type<sc_vector_subcore>, window_params = [{transform_indices = #map}, {transform_indices = #map1}, {transform_indices = #map2}]} {
    %mul3A = arith.constant 2 : i32
    %mul3A_0 = arith.muli %arg1, %mul3A : i32
    %add3A = arith.addi %mul3A_0, %arg0 : i32
    %mul3A_1 = arith.constant 640 : i32
    %mul3A_2 = arith.muli %arg1, %mul3A_1 : i32
    "tpu.region"() ({
      %run_scoped3A = tpu.sem_alloc : memref<!tpu.dma_semaphore, #tpu.memory_space<semaphore_mem>>
      %dma_start3A = tpu.memref_slice %arg7[%mul3A_2] : memref<10240xf32, #tpu.memory_space<vmem_shared>> -> memref<640xf32, #tpu.memory_space<vmem_shared>>
      tpu.enqueue_dma source(%arg3 : memref<640xf32, #tpu.memory_space<hbm>>) target(%dma_start3A : memref<640xf32, #tpu.memory_space<vmem_shared>>) target_semaphore(%run_scoped3A : memref<!tpu.dma_semaphore, #tpu.memory_space<semaphore_mem>>)
      %dma_wait3A = tpu.memref_slice %arg7[%mul3A_2] : memref<10240xf32, #tpu.memory_space<vmem_shared>> -> memref<640xf32, #tpu.memory_space<vmem_shared>>
      tpu.wait_dma2 semaphore(%run_scoped3A : memref<!tpu.dma_semaphore, #tpu.memory_space<semaphore_mem>>) src(%arg3 : memref<640xf32, #tpu.memory_space<hbm>>) dst(%dma_wait3A : memref<640xf32, #tpu.memory_space<vmem_shared>>)
      tpu.yield
    }) : () -> ()
    %scan3A = arith.constant 0 : i32
    %scan3A_3 = arith.constant 0 : i32
    %scan3A_4 = arith.constant 8 : i32
    %scan3A_5 = arith.addi %scan3A_3, %scan3A_4 : i32
    %scan3A_6 = arith.constant 1 : i32
    scf.for %scan3A_19 = %scan3A_3 to %scan3A_5 step %scan3A_6  : i32 {
      %broadcast_in_dim3A = arith.constant 1.000000e+00 : f32
      %broadcast_in_dim3A_20 = vector.broadcast %broadcast_in_dim3A : f32 to vector<16xf32>
      %mul3A_21 = arith.constant 16 : i32
      %mul3A_22 = arith.muli %scan3A_19, %mul3A_21 : i32
      %swap3A = arith.index_cast %mul3A_22 : i32 to index
      %swap3A_23 = tpu.vector_load %arg6[%swap3A] {strides = array<i32>} : memref<128xf32, #tpu.memory_space<vmem>>, vector<16xf32>,
      %swap3A_24 = vector.shape_cast %swap3A_23 : vector<16xf32> to vector<16xf32>
      %swap3A_25 = vector.shape_cast %broadcast_in_dim3A_20 : vector<16xf32> to vector<16xf32>
      tpu.vector_store %arg6[%swap3A], %swap3A_25 {strides = array<i32>} : memref<128xf32, #tpu.memory_space<vmem>>, vector<16xf32>,
    }
    %scan3A_7 = arith.constant 8 : i32
    "tpu.region"() ({
      %run_scoped3A = tpu.sem_alloc : memref<!tpu.dma_semaphore, #tpu.memory_space<semaphore_mem>>
      %dma_start3A = arith.constant 0 : i32
      %dma_start3A_19 = arith.constant 0 : i32
      %dma_start3A_20 = tpu.memref_slice %arg2[%add3A, %dma_start3A, %dma_start3A_19] : memref<32x80x128xi32, #tpu.memory_space<hbm>> -> memref<1x80x128xi32, #tpu.memory_space<hbm>>
      %dma_start3A_21 = tpu.memref_squeeze %dma_start3A_20 : memref<1x80x128xi32, #tpu.memory_space<hbm>> -> memref<80x128xi32, #tpu.memory_space<hbm>>
      %dma_start3A_22 = arith.constant 0 : i32
      %dma_start3A_23 = arith.constant 0 : i32
      %dma_start3A_24 = tpu.memref_slice %arg2[%add3A, %dma_start3A_22, %dma_start3A_23] : memref<32x80x128xi32, #tpu.memory_space<hbm>> -> memref<1x80x128xi32, #tpu.memory_space<hbm>>
      %dma_start3A_25 = tpu.memref_squeeze %dma_start3A_24 : memref<1x80x128xi32, #tpu.memory_space<hbm>> -> memref<80x128xi32, #tpu.memory_space<hbm>>
      tpu.enqueue_dma source(%dma_start3A_25 : memref<80x128xi32, #tpu.memory_space<hbm>>) target(%arg5 : memref<80x128xi32, #tpu.memory_space<vmem>>) target_semaphore(%run_scoped3A : memref<!tpu.dma_semaphore, #tpu.memory_space<semaphore_mem>>)
      %dma_wait3A = arith.constant 0 : i32
      %dma_wait3A_26 = arith.constant 0 : i32
      %dma_wait3A_27 = tpu.memref_slice %arg2[%add3A, %dma_wait3A, %dma_wait3A_26] : memref<32x80x128xi32, #tpu.memory_space<hbm>> -> memref<1x80x128xi32, #tpu.memory_space<hbm>>
      %dma_wait3A_28 = tpu.memref_squeeze %dma_wait3A_27 : memref<1x80x128xi32, #tpu.memory_space<hbm>> -> memref<80x128xi32, #tpu.memory_space<hbm>>
      %dma_wait3A_29 = arith.constant 0 : i32
      %dma_wait3A_30 = arith.constant 0 : i32
      %dma_wait3A_31 = tpu.memref_slice %arg2[%add3A, %dma_wait3A_29, %dma_wait3A_30] : memref<32x80x128xi32, #tpu.memory_space<hbm>> -> memref<1x80x128xi32, #tpu.memory_space<hbm>>
      %dma_wait3A_32 = tpu.memref_squeeze %dma_wait3A_31 : memref<1x80x128xi32, #tpu.memory_space<hbm>> -> memref<80x128xi32, #tpu.memory_space<hbm>>
      tpu.wait_dma2 semaphore(%run_scoped3A : memref<!tpu.dma_semaphore, #tpu.memory_space<semaphore_mem>>) src(%dma_wait3A_32 : memref<80x128xi32, #tpu.memory_space<hbm>>) dst(%arg5 : memref<80x128xi32, #tpu.memory_space<vmem>>)
      tpu.yield
    }) : () -> ()
    %barrier3A = arith.constant 0 : index
    tpu.barrier barrier_id(%barrier3A)
    %scan3A_8 = arith.constant 0 : i32
    %scan3A_9 = arith.constant 0 : i32
    %scan3A_10 = arith.constant 80 : i32
    %scan3A_11 = arith.addi %scan3A_9, %scan3A_10 : i32
    %scan3A_12 = arith.constant 1 : i32
    scf.for %scan3A_19 = %scan3A_9 to %scan3A_11 step %scan3A_12  : i32 {
      "tpu.region"() ({
        %run_scoped3A = tpu.sem_alloc : memref<!tpu.dma_semaphore, #tpu.memory_space<semaphore_mem>>
        %dma_start3A = arith.constant 0 : i32
        %dma_start3A_20 = tpu.memref_slice %arg5[%scan3A_19, %dma_start3A] : memref<80x128xi32, #tpu.memory_space<vmem>> -> memref<1x128xi32, #tpu.memory_space<vmem>>
        %dma_start3A_21 = tpu.memref_squeeze %dma_start3A_20 : memref<1x128xi32, #tpu.memory_space<vmem>> -> memref<128xi32, #tpu.memory_space<vmem>>
        %dma_start3A_22 = arith.constant 0 : i32
        %dma_start3A_23 = tpu.memref_slice %arg7[%dma_start3A_22] : memref<10240xf32, #tpu.memory_space<vmem_shared>> -> memref<10240xf32, #tpu.memory_space<vmem_shared>>
        tpu.enqueue_indirect_dma source(%arg6 : memref<128xf32, #tpu.memory_space<vmem>>) target(%dma_start3A_23 : memref<10240xf32, #tpu.memory_space<vmem_shared>>) offsets(%dma_start3A_21 : memref<128xi32, #tpu.memory_space<vmem>>) semaphore(%run_scoped3A : memref<!tpu.dma_semaphore, #tpu.memory_space<semaphore_mem>>) {add = true}
        %dma_wait3A = arith.constant 0 : i32
        %dma_wait3A_24 = tpu.memref_slice %arg5[%scan3A_19, %dma_wait3A] : memref<80x128xi32, #tpu.memory_space<vmem>> -> memref<1x128xi32, #tpu.memory_space<vmem>>
        %dma_wait3A_25 = tpu.memref_squeeze %dma_wait3A_24 : memref<1x128xi32, #tpu.memory_space<vmem>> -> memref<128xi32, #tpu.memory_space<vmem>>
        %dma_wait3A_26 = arith.constant 0 : i32
        %dma_wait3A_27 = tpu.memref_slice %arg7[%dma_wait3A_26] : memref<10240xf32, #tpu.memory_space<vmem_shared>> -> memref<10240xf32, #tpu.memory_space<vmem_shared>>
        tpu.wait_indirect_dma semaphore(%run_scoped3A : memref<!tpu.dma_semaphore, #tpu.memory_space<semaphore_mem>>) src(%arg6 : memref<128xf32, #tpu.memory_space<vmem>>) dst(%dma_wait3A_27 : memref<10240xf32, #tpu.memory_space<vmem_shared>>)
        tpu.yield
      }) : () -> ()
    }
    %scan3A_13 = arith.constant 80 : i32
    %barrier3A_14 = arith.constant 0 : index
    tpu.barrier barrier_id(%barrier3A_14)
    %mul3A_15 = arith.constant 640 : i32
    %mul3A_16 = arith.muli %arg1, %mul3A_15 : i32
    %mul3A_17 = arith.constant 640 : i32
    %mul3A_18 = arith.muli %arg1, %mul3A_17 : i32
    "tpu.region"() ({
      %run_scoped3A = tpu.sem_alloc : memref<!tpu.dma_semaphore, #tpu.memory_space<semaphore_mem>>
      %dma_start3A = tpu.memref_slice %arg4[%arg0, %mul3A_18] : memref<2x10240xf32, #tpu.memory_space<hbm>> -> memref<1x640xf32, #tpu.memory_space<hbm>>
      %dma_start3A_19 = tpu.memref_squeeze %dma_start3A : memref<1x640xf32, #tpu.memory_space<hbm>> -> memref<640xf32, #tpu.memory_space<hbm>>
      %dma_start3A_20 = tpu.memref_slice %arg7[%mul3A_16] : memref<10240xf32, #tpu.memory_space<vmem_shared>> -> memref<640xf32, #tpu.memory_space<vmem_shared>>
      tpu.enqueue_dma source(%dma_start3A_20 : memref<640xf32, #tpu.memory_space<vmem_shared>>) target(%dma_start3A_19 : memref<640xf32, #tpu.memory_space<hbm>>) target_semaphore(%run_scoped3A : memref<!tpu.dma_semaphore, #tpu.memory_space<semaphore_mem>>)
      %dma_wait3A = tpu.memref_slice %arg4[%arg0, %mul3A_18] : memref<2x10240xf32, #tpu.memory_space<hbm>> -> memref<1x640xf32, #tpu.memory_space<hbm>>
      %dma_wait3A_21 = tpu.memref_squeeze %dma_wait3A : memref<1x640xf32, #tpu.memory_space<hbm>> -> memref<640xf32, #tpu.memory_space<hbm>>
      %dma_wait3A_22 = tpu.memref_slice %arg7[%mul3A_16] : memref<10240xf32, #tpu.memory_space<vmem_shared>> -> memref<640xf32, #tpu.memory_space<vmem_shared>>
      tpu.wait_dma2 semaphore(%run_scoped3A : memref<!tpu.dma_semaphore, #tpu.memory_space<semaphore_mem>>) src(%dma_wait3A_22 : memref<640xf32, #tpu.memory_space<vmem_shared>>) dst(%dma_wait3A_21 : memref<640xf32, #tpu.memory_space<hbm>>)
      tpu.yield
    }) : () -> ()
    return
  }
}

#map = affine_map<(d0, d1) -> (0, 0)>
#map1 = affine_map<(d0, d1) -> (0, 0, 0, 0)>
#map2 = affine_map<(d0, d1) -> (0, 0, 0)>
module attributes {stable_mosaic.version = 14 : i64} {
  func.func @_agg_kernel(%arg0: i32, %arg1: i32, %arg2: memref<20000x64xf32, #tpu.memory_space<hbm>>, %arg3: memref<2x16x160x128xi32, #tpu.memory_space<hbm>>, %arg4: memref<16x160x128xi32, #tpu.memory_space<hbm>>, %arg5: memref<640x64xf32, #tpu.memory_space<hbm>>, %arg6: memref<2x10240x64xf32, #tpu.memory_space<hbm>>, %arg7: memref<160x128xi32, #tpu.memory_space<vmem>>, %arg8: memref<160x128xi32, #tpu.memory_space<vmem>>, %arg9: memref<128x64xf32, #tpu.memory_space<vmem>>, %arg10: memref<128x64xf32, #tpu.memory_space<vmem>>, %arg11: memref<128x64xf32, #tpu.memory_space<vmem>>, %arg12: memref<128x64xf32, #tpu.memory_space<vmem>>, %arg13: memref<128x64xf32, #tpu.memory_space<vmem>>, %arg14: memref<10240x64xf32, #tpu.memory_space<vmem_shared>>, %arg15: memref<!tpu.dma_semaphore, #tpu.memory_space<semaphore_mem>>, %arg16: memref<!tpu.dma_semaphore, #tpu.memory_space<semaphore_mem>>, %arg17: memref<!tpu.dma_semaphore, #tpu.memory_space<semaphore_mem>>, %arg18: memref<!tpu.dma_semaphore, #tpu.memory_space<semaphore_mem>>, %arg19: memref<!tpu.dma_semaphore, #tpu.memory_space<semaphore_mem>>, %arg20: memref<!tpu.dma_semaphore, #tpu.memory_space<semaphore_mem>>, %arg21: memref<!tpu.dma_semaphore, #tpu.memory_space<semaphore_mem>>, %arg22: memref<!tpu.dma_semaphore, #tpu.memory_space<semaphore_mem>>, %arg23: memref<!tpu.dma_semaphore, #tpu.memory_space<semaphore_mem>>, %arg24: memref<!tpu.dma_semaphore, #tpu.memory_space<semaphore_mem>>) attributes {dimension_semantics = [#tpu.dimension_semantics<core_parallel>, #tpu.dimension_semantics<subcore_parallel>], iteration_bounds = array<i64: 2, 16>, scalar_prefetch = 0 : i64, scratch_operands = 18 : i64, tpu.core_type = #tpu.core_type<sc_vector_subcore>, window_params = [{transform_indices = #map}, {transform_indices = #map1}, {transform_indices = #map2}, {transform_indices = #map}, {transform_indices = #map2}]} {
    %mul3A = arith.constant 640 : i32
    %mul3A_0 = arith.muli %arg1, %mul3A : i32
    "tpu.region"() ({
      %run_scoped3A = tpu.sem_alloc : memref<!tpu.dma_semaphore, #tpu.memory_space<semaphore_mem>>
      %dma_start3A_65 = arith.constant 0 : i32
      %dma_start3A_66 = tpu.memref_slice %arg14[%mul3A_0, %dma_start3A_65] : memref<10240x64xf32, #tpu.memory_space<vmem_shared>> -> memref<640x64xf32, #tpu.memory_space<vmem_shared>>
      tpu.enqueue_dma source(%arg5 : memref<640x64xf32, #tpu.memory_space<hbm>>) target(%dma_start3A_66 : memref<640x64xf32, #tpu.memory_space<vmem_shared>>) target_semaphore(%run_scoped3A : memref<!tpu.dma_semaphore, #tpu.memory_space<semaphore_mem>>)
      %dma_wait3A_67 = arith.constant 0 : i32
      %dma_wait3A_68 = tpu.memref_slice %arg14[%mul3A_0, %dma_wait3A_67] : memref<10240x64xf32, #tpu.memory_space<vmem_shared>> -> memref<640x64xf32, #tpu.memory_space<vmem_shared>>
      tpu.wait_dma2 semaphore(%run_scoped3A : memref<!tpu.dma_semaphore, #tpu.memory_space<semaphore_mem>>) src(%arg5 : memref<640x64xf32, #tpu.memory_space<hbm>>) dst(%dma_wait3A_68 : memref<640x64xf32, #tpu.memory_space<vmem_shared>>)
      tpu.yield
    }) : () -> ()
    "tpu.region"() ({
      %run_scoped3A = tpu.sem_alloc : memref<!tpu.dma_semaphore, #tpu.memory_space<semaphore_mem>>
      %dma_start3A_65 = arith.constant 0 : i32
      %dma_start3A_66 = arith.constant 0 : i32
      %dma_start3A_67 = tpu.memref_slice %arg3[%arg0, %arg1, %dma_start3A_65, %dma_start3A_66] : memref<2x16x160x128xi32, #tpu.memory_space<hbm>> -> memref<1x1x160x128xi32, #tpu.memory_space<hbm>>
      %dma_start3A_68 = tpu.memref_squeeze %dma_start3A_67 : memref<1x1x160x128xi32, #tpu.memory_space<hbm>> -> memref<160x128xi32, #tpu.memory_space<hbm>>
      %dma_start3A_69 = arith.constant 0 : i32
      %dma_start3A_70 = arith.constant 0 : i32
      %dma_start3A_71 = tpu.memref_slice %arg3[%arg0, %arg1, %dma_start3A_69, %dma_start3A_70] : memref<2x16x160x128xi32, #tpu.memory_space<hbm>> -> memref<1x1x160x128xi32, #tpu.memory_space<hbm>>
      %dma_start3A_72 = tpu.memref_squeeze %dma_start3A_71 : memref<1x1x160x128xi32, #tpu.memory_space<hbm>> -> memref<160x128xi32, #tpu.memory_space<hbm>>
      tpu.enqueue_dma source(%dma_start3A_72 : memref<160x128xi32, #tpu.memory_space<hbm>>) target(%arg7 : memref<160x128xi32, #tpu.memory_space<vmem>>) target_semaphore(%run_scoped3A : memref<!tpu.dma_semaphore, #tpu.memory_space<semaphore_mem>>)
      %dma_wait3A_73 = arith.constant 0 : i32
      %dma_wait3A_74 = arith.constant 0 : i32
      %dma_wait3A_75 = tpu.memref_slice %arg3[%arg0, %arg1, %dma_wait3A_73, %dma_wait3A_74] : memref<2x16x160x128xi32, #tpu.memory_space<hbm>> -> memref<1x1x160x128xi32, #tpu.memory_space<hbm>>
      %dma_wait3A_76 = tpu.memref_squeeze %dma_wait3A_75 : memref<1x1x160x128xi32, #tpu.memory_space<hbm>> -> memref<160x128xi32, #tpu.memory_space<hbm>>
      %dma_wait3A_77 = arith.constant 0 : i32
      %dma_wait3A_78 = arith.constant 0 : i32
      %dma_wait3A_79 = tpu.memref_slice %arg3[%arg0, %arg1, %dma_wait3A_77, %dma_wait3A_78] : memref<2x16x160x128xi32, #tpu.memory_space<hbm>> -> memref<1x1x160x128xi32, #tpu.memory_space<hbm>>
      %dma_wait3A_80 = tpu.memref_squeeze %dma_wait3A_79 : memref<1x1x160x128xi32, #tpu.memory_space<hbm>> -> memref<160x128xi32, #tpu.memory_space<hbm>>
      tpu.wait_dma2 semaphore(%run_scoped3A : memref<!tpu.dma_semaphore, #tpu.memory_space<semaphore_mem>>) src(%dma_wait3A_80 : memref<160x128xi32, #tpu.memory_space<hbm>>) dst(%arg7 : memref<160x128xi32, #tpu.memory_space<vmem>>)
      tpu.yield
    }) : () -> ()
    "tpu.region"() ({
      %run_scoped3A = tpu.sem_alloc : memref<!tpu.dma_semaphore, #tpu.memory_space<semaphore_mem>>
      %dma_start3A_65 = arith.constant 0 : i32
      %dma_start3A_66 = arith.constant 0 : i32
      %dma_start3A_67 = tpu.memref_slice %arg4[%arg1, %dma_start3A_65, %dma_start3A_66] : memref<16x160x128xi32, #tpu.memory_space<hbm>> -> memref<1x160x128xi32, #tpu.memory_space<hbm>>
      %dma_start3A_68 = tpu.memref_squeeze %dma_start3A_67 : memref<1x160x128xi32, #tpu.memory_space<hbm>> -> memref<160x128xi32, #tpu.memory_space<hbm>>
      %dma_start3A_69 = arith.constant 0 : i32
      %dma_start3A_70 = arith.constant 0 : i32
      %dma_start3A_71 = tpu.memref_slice %arg4[%arg1, %dma_start3A_69, %dma_start3A_70] : memref<16x160x128xi32, #tpu.memory_space<hbm>> -> memref<1x160x128xi32, #tpu.memory_space<hbm>>
      %dma_start3A_72 = tpu.memref_squeeze %dma_start3A_71 : memref<1x160x128xi32, #tpu.memory_space<hbm>> -> memref<160x128xi32, #tpu.memory_space<hbm>>
      tpu.enqueue_dma source(%dma_start3A_72 : memref<160x128xi32, #tpu.memory_space<hbm>>) target(%arg8 : memref<160x128xi32, #tpu.memory_space<vmem>>) target_semaphore(%run_scoped3A : memref<!tpu.dma_semaphore, #tpu.memory_space<semaphore_mem>>)
      %dma_wait3A_73 = arith.constant 0 : i32
      %dma_wait3A_74 = arith.constant 0 : i32
      %dma_wait3A_75 = tpu.memref_slice %arg4[%arg1, %dma_wait3A_73, %dma_wait3A_74] : memref<16x160x128xi32, #tpu.memory_space<hbm>> -> memref<1x160x128xi32, #tpu.memory_space<hbm>>
      %dma_wait3A_76 = tpu.memref_squeeze %dma_wait3A_75 : memref<1x160x128xi32, #tpu.memory_space<hbm>> -> memref<160x128xi32, #tpu.memory_space<hbm>>
      %dma_wait3A_77 = arith.constant 0 : i32
      %dma_wait3A_78 = arith.constant 0 : i32
      %dma_wait3A_79 = tpu.memref_slice %arg4[%arg1, %dma_wait3A_77, %dma_wait3A_78] : memref<16x160x128xi32, #tpu.memory_space<hbm>> -> memref<1x160x128xi32, #tpu.memory_space<hbm>>
      %dma_wait3A_80 = tpu.memref_squeeze %dma_wait3A_79 : memref<1x160x128xi32, #tpu.memory_space<hbm>> -> memref<160x128xi32, #tpu.memory_space<hbm>>
      tpu.wait_dma2 semaphore(%run_scoped3A : memref<!tpu.dma_semaphore, #tpu.memory_space<semaphore_mem>>) src(%dma_wait3A_80 : memref<160x128xi32, #tpu.memory_space<hbm>>) dst(%arg8 : memref<160x128xi32, #tpu.memory_space<vmem>>)
      tpu.yield
    }) : () -> ()
    %barrier3A = arith.constant 0 : index
    tpu.barrier barrier_id(%barrier3A)
    %dma_start3A = arith.constant 0 : i32
    %dma_start3A_1 = arith.constant 0 : i32
    %dma_start3A_2 = tpu.memref_slice %arg7[%dma_start3A, %dma_start3A_1] : memref<160x128xi32, #tpu.memory_space<vmem>> -> memref<1x128xi32, #tpu.memory_space<vmem>>
    %dma_start3A_3 = tpu.memref_squeeze %dma_start3A_2 : memref<1x128xi32, #tpu.memory_space<vmem>> -> memref<128xi32, #tpu.memory_space<vmem>>
    %dma_start3A_4 = arith.constant 0 : i32
    %dma_start3A_5 = arith.constant 0 : i32
    %dma_start3A_6 = tpu.memref_slice %arg2[%dma_start3A_4, %dma_start3A_5] : memref<20000x64xf32, #tpu.memory_space<hbm>> -> memref<20000x64xf32, #tpu.memory_space<hbm>>
    tpu.enqueue_indirect_dma source(%dma_start3A_6 : memref<20000x64xf32, #tpu.memory_space<hbm>>) target(%arg9 : memref<128x64xf32, #tpu.memory_space<vmem>>) offsets(%dma_start3A_3 : memref<128xi32, #tpu.memory_space<vmem>>) semaphore(%arg15 : memref<!tpu.dma_semaphore, #tpu.memory_space<semaphore_mem>>)
    %dma_start3A_7 = arith.constant 1 : i32
    %dma_start3A_8 = arith.constant 0 : i32
    %dma_start3A_9 = tpu.memref_slice %arg7[%dma_start3A_7, %dma_start3A_8] : memref<160x128xi32, #tpu.memory_space<vmem>> -> memref<1x128xi32, #tpu.memory_space<vmem>>
    %dma_start3A_10 = tpu.memref_squeeze %dma_start3A_9 : memref<1x128xi32, #tpu.memory_space<vmem>> -> memref<128xi32, #tpu.memory_space<vmem>>
    %dma_start3A_11 = arith.constant 0 : i32
    %dma_start3A_12 = arith.constant 0 : i32
    %dma_start3A_13 = tpu.memref_slice %arg2[%dma_start3A_11, %dma_start3A_12] : memref<20000x64xf32, #tpu.memory_space<hbm>> -> memref<20000x64xf32, #tpu.memory_space<hbm>>
    tpu.enqueue_indirect_dma source(%dma_start3A_13 : memref<20000x64xf32, #tpu.memory_space<hbm>>) target(%arg10 : memref<128x64xf32, #tpu.memory_space<vmem>>) offsets(%dma_start3A_10 : memref<128xi32, #tpu.memory_space<vmem>>) semaphore(%arg16 : memref<!tpu.dma_semaphore, #tpu.memory_space<semaphore_mem>>)
    %dma_start3A_14 = arith.constant 2 : i32
    %dma_start3A_15 = arith.constant 0 : i32
    %dma_start3A_16 = tpu.memref_slice %arg7[%dma_start3A_14, %dma_start3A_15] : memref<160x128xi32, #tpu.memory_space<vmem>> -> memref<1x128xi32, #tpu.memory_space<vmem>>
    %dma_start3A_17 = tpu.memref_squeeze %dma_start3A_16 : memref<1x128xi32, #tpu.memory_space<vmem>> -> memref<128xi32, #tpu.memory_space<vmem>>
    %dma_start3A_18 = arith.constant 0 : i32
    %dma_start3A_19 = arith.constant 0 : i32
    %dma_start3A_20 = tpu.memref_slice %arg2[%dma_start3A_18, %dma_start3A_19] : memref<20000x64xf32, #tpu.memory_space<hbm>> -> memref<20000x64xf32, #tpu.memory_space<hbm>>
    tpu.enqueue_indirect_dma source(%dma_start3A_20 : memref<20000x64xf32, #tpu.memory_space<hbm>>) target(%arg11 : memref<128x64xf32, #tpu.memory_space<vmem>>) offsets(%dma_start3A_17 : memref<128xi32, #tpu.memory_space<vmem>>) semaphore(%arg17 : memref<!tpu.dma_semaphore, #tpu.memory_space<semaphore_mem>>)
    %scan3A = arith.constant 0 : i32
    %scan3A_21 = arith.constant 0 : i32
    %scan3A_22 = arith.constant 32 : i32
    %scan3A_23 = arith.addi %scan3A_21, %scan3A_22 : i32
    %scan3A_24 = arith.constant 1 : i32
    scf.for %scan3A_65 = %scan3A_21 to %scan3A_23 step %scan3A_24  : i32 {
      %mul3A_66 = arith.constant 5 : i32
      %mul3A_67 = arith.muli %scan3A_65, %mul3A_66 : i32
      %add3A = arith.constant 0 : i32
      %add3A_68 = arith.addi %mul3A_67, %add3A : i32
      %dma_wait3A_69 = arith.constant 0 : i32
      %dma_wait3A_70 = tpu.memref_slice %arg7[%add3A_68, %dma_wait3A_69] : memref<160x128xi32, #tpu.memory_space<vmem>> -> memref<1x128xi32, #tpu.memory_space<vmem>>
      %dma_wait3A_71 = tpu.memref_squeeze %dma_wait3A_70 : memref<1x128xi32, #tpu.memory_space<vmem>> -> memref<128xi32, #tpu.memory_space<vmem>>
      %dma_wait3A_72 = arith.constant 0 : i32
      %dma_wait3A_73 = arith.constant 0 : i32
      %dma_wait3A_74 = tpu.memref_slice %arg2[%dma_wait3A_72, %dma_wait3A_73] : memref<20000x64xf32, #tpu.memory_space<hbm>> -> memref<20000x64xf32, #tpu.memory_space<hbm>>
      tpu.wait_indirect_dma semaphore(%arg15 : memref<!tpu.dma_semaphore, #tpu.memory_space<semaphore_mem>>) src(%dma_wait3A_74 : memref<20000x64xf32, #tpu.memory_space<hbm>>) dst(%arg9 : memref<128x64xf32, #tpu.memory_space<vmem>>)
      %dma_start3A_75 = arith.constant 0 : i32
      %dma_start3A_76 = tpu.memref_slice %arg8[%add3A_68, %dma_start3A_75] : memref<160x128xi32, #tpu.memory_space<vmem>> -> memref<1x128xi32, #tpu.memory_space<vmem>>
      %dma_start3A_77 = tpu.memref_squeeze %dma_start3A_76 : memref<1x128xi32, #tpu.memory_space<vmem>> -> memref<128xi32, #tpu.memory_space<vmem>>
      %dma_start3A_78 = arith.constant 0 : i32
      %dma_start3A_79 = arith.constant 0 : i32
      %dma_start3A_80 = tpu.memref_slice %arg14[%dma_start3A_78, %dma_start3A_79] : memref<10240x64xf32, #tpu.memory_space<vmem_shared>> -> memref<10240x64xf32, #tpu.memory_space<vmem_shared>>
      tpu.enqueue_indirect_dma source(%arg9 : memref<128x64xf32, #tpu.memory_space<vmem>>) target(%dma_start3A_80 : memref<10240x64xf32, #tpu.memory_space<vmem_shared>>) offsets(%dma_start3A_77 : memref<128xi32, #tpu.memory_space<vmem>>) semaphore(%arg20 : memref<!tpu.dma_semaphore, #tpu.memory_space<semaphore_mem>>) {add = true}
      %add3A_81 = arith.constant 3 : i32
      %add3A_82 = arith.addi %add3A_68, %add3A_81 : i32
      %lt3A = arith.constant 160 : i32
      %lt3A_83 = arith.cmpi slt, %add3A_82, %lt3A : i32
      %convert_element_type3A = arith.extui %lt3A_83 : i1 to i32
      %cond3A = arith.constant 0 : i32
      %cond3A_84 = arith.cmpi ne, %convert_element_type3A, %cond3A : i32
      scf.if %cond3A_84 {
        %ge3A = arith.constant 2 : i32
        %ge3A_169 = arith.cmpi sge, %add3A_68, %ge3A : i32
        %convert_element_type3A_170 = arith.extui %ge3A_169 : i1 to i32
        %cond3A_171 = arith.constant 0 : i32
        %cond3A_172 = arith.cmpi ne, %convert_element_type3A_170, %cond3A_171 : i32
        scf.if %cond3A_172 {
          %sub3A = arith.constant 2 : i32
          %sub3A_181 = arith.subi %add3A_68, %sub3A : i32
          %dma_wait3A_182 = arith.constant 0 : i32
          %dma_wait3A_183 = tpu.memref_slice %arg8[%sub3A_181, %dma_wait3A_182] : memref<160x128xi32, #tpu.memory_space<vmem>> -> memref<1x128xi32, #tpu.memory_space<vmem>>
          %dma_wait3A_184 = tpu.memref_squeeze %dma_wait3A_183 : memref<1x128xi32, #tpu.memory_space<vmem>> -> memref<128xi32, #tpu.memory_space<vmem>>
          %dma_wait3A_185 = arith.constant 0 : i32
          %dma_wait3A_186 = arith.constant 0 : i32
          %dma_wait3A_187 = tpu.memref_slice %arg14[%dma_wait3A_185, %dma_wait3A_186] : memref<10240x64xf32, #tpu.memory_space<vmem_shared>> -> memref<10240x64xf32, #tpu.memory_space<vmem_shared>>
          tpu.wait_indirect_dma semaphore(%arg23 : memref<!tpu.dma_semaphore, #tpu.memory_space<semaphore_mem>>) src(%arg12 : memref<128x64xf32, #tpu.memory_space<vmem>>) dst(%dma_wait3A_187 : memref<10240x64xf32, #tpu.memory_space<vmem_shared>>)
        } else {
        }
        %add3A_173 = arith.constant 3 : i32
        %add3A_174 = arith.addi %add3A_68, %add3A_173 : i32
        %dma_start3A_175 = arith.constant 0 : i32
        %dma_start3A_176 = tpu.memref_slice %arg7[%add3A_174, %dma_start3A_175] : memref<160x128xi32, #tpu.memory_space<vmem>> -> memref<1x128xi32, #tpu.memory_space<vmem>>
        %dma_start3A_177 = tpu.memref_squeeze %dma_start3A_176 : memref<1x128xi32, #tpu.memory_space<vmem>> -> memref<128xi32, #tpu.memory_space<vmem>>
        %dma_start3A_178 = arith.constant 0 : i32
        %dma_start3A_179 = arith.constant 0 : i32
        %dma_start3A_180 = tpu.memref_slice %arg2[%dma_start3A_178, %dma_start3A_179] : memref<20000x64xf32, #tpu.memory_space<hbm>> -> memref<20000x64xf32, #tpu.memory_space<hbm>>
        tpu.enqueue_indirect_dma source(%dma_start3A_180 : memref<20000x64xf32, #tpu.memory_space<hbm>>) target(%arg12 : memref<128x64xf32, #tpu.memory_space<vmem>>) offsets(%dma_start3A_177 : memref<128xi32, #tpu.memory_space<vmem>>) semaphore(%arg18 : memref<!tpu.dma_semaphore, #tpu.memory_space<semaphore_mem>>)
      } else {
      }
      %add3A_85 = arith.constant 1 : i32
      %add3A_86 = arith.addi %mul3A_67, %add3A_85 : i32
      %dma_wait3A_87 = arith.constant 0 : i32
      %dma_wait3A_88 = tpu.memref_slice %arg7[%add3A_86, %dma_wait3A_87] : memref<160x128xi32, #tpu.memory_space<vmem>> -> memref<1x128xi32, #tpu.memory_space<vmem>>
      %dma_wait3A_89 = tpu.memref_squeeze %dma_wait3A_88 : memref<1x128xi32, #tpu.memory_space<vmem>> -> memref<128xi32, #tpu.memory_space<vmem>>
      %dma_wait3A_90 = arith.constant 0 : i32
      %dma_wait3A_91 = arith.constant 0 : i32
      %dma_wait3A_92 = tpu.memref_slice %arg2[%dma_wait3A_90, %dma_wait3A_91] : memref<20000x64xf32, #tpu.memory_space<hbm>> -> memref<20000x64xf32, #tpu.memory_space<hbm>>
      tpu.wait_indirect_dma semaphore(%arg16 : memref<!tpu.dma_semaphore, #tpu.memory_space<semaphore_mem>>) src(%dma_wait3A_92 : memref<20000x64xf32, #tpu.memory_space<hbm>>) dst(%arg10 : memref<128x64xf32, #tpu.memory_space<vmem>>)
      %dma_start3A_93 = arith.constant 0 : i32
      %dma_start3A_94 = tpu.memref_slice %arg8[%add3A_86, %dma_start3A_93] : memref<160x128xi32, #tpu.memory_space<vmem>> -> memref<1x128xi32, #tpu.memory_space<vmem>>
      %dma_start3A_95 = tpu.memref_squeeze %dma_start3A_94 : memref<1x128xi32, #tpu.memory_space<vmem>> -> memref<128xi32, #tpu.memory_space<vmem>>
      %dma_start3A_96 = arith.constant 0 : i32
      %dma_start3A_97 = arith.constant 0 : i32
      %dma_start3A_98 = tpu.memref_slice %arg14[%dma_start3A_96, %dma_start3A_97] : memref<10240x64xf32, #tpu.memory_space<vmem_shared>> -> memref<10240x64xf32, #tpu.memory_space<vmem_shared>>
      tpu.enqueue_indirect_dma source(%arg10 : memref<128x64xf32, #tpu.memory_space<vmem>>) target(%dma_start3A_98 : memref<10240x64xf32, #tpu.memory_space<vmem_shared>>) offsets(%dma_start3A_95 : memref<128xi32, #tpu.memory_space<vmem>>) semaphore(%arg21 : memref<!tpu.dma_semaphore, #tpu.memory_space<semaphore_mem>>) {add = true}
      %add3A_99 = arith.constant 3 : i32
      %add3A_100 = arith.addi %add3A_86, %add3A_99 : i32
      %lt3A_101 = arith.constant 160 : i32
      %lt3A_102 = arith.cmpi slt, %add3A_100, %lt3A_101 : i32
      %convert_element_type3A_103 = arith.extui %lt3A_102 : i1 to i32
      %cond3A_104 = arith.constant 0 : i32
      %cond3A_105 = arith.cmpi ne, %convert_element_type3A_103, %cond3A_104 : i32
      scf.if %cond3A_105 {
        %ge3A = arith.constant 2 : i32
        %ge3A_169 = arith.cmpi sge, %add3A_86, %ge3A : i32
        %convert_element_type3A_170 = arith.extui %ge3A_169 : i1 to i32
        %cond3A_171 = arith.constant 0 : i32
        %cond3A_172 = arith.cmpi ne, %convert_element_type3A_170, %cond3A_171 : i32
        scf.if %cond3A_172 {
          %sub3A = arith.constant 2 : i32
          %sub3A_181 = arith.subi %add3A_86, %sub3A : i32
          %dma_wait3A_182 = arith.constant 0 : i32
          %dma_wait3A_183 = tpu.memref_slice %arg8[%sub3A_181, %dma_wait3A_182] : memref<160x128xi32, #tpu.memory_space<vmem>> -> memref<1x128xi32, #tpu.memory_space<vmem>>
          %dma_wait3A_184 = tpu.memref_squeeze %dma_wait3A_183 : memref<1x128xi32, #tpu.memory_space<vmem>> -> memref<128xi32, #tpu.memory_space<vmem>>
          %dma_wait3A_185 = arith.constant 0 : i32
          %dma_wait3A_186 = arith.constant 0 : i32
          %dma_wait3A_187 = tpu.memref_slice %arg14[%dma_wait3A_185, %dma_wait3A_186] : memref<10240x64xf32, #tpu.memory_space<vmem_shared>> -> memref<10240x64xf32, #tpu.memory_space<vmem_shared>>
          tpu.wait_indirect_dma semaphore(%arg24 : memref<!tpu.dma_semaphore, #tpu.memory_space<semaphore_mem>>) src(%arg13 : memref<128x64xf32, #tpu.memory_space<vmem>>) dst(%dma_wait3A_187 : memref<10240x64xf32, #tpu.memory_space<vmem_shared>>)
        } else {
        }
        %add3A_173 = arith.constant 3 : i32
        %add3A_174 = arith.addi %add3A_86, %add3A_173 : i32
        %dma_start3A_175 = arith.constant 0 : i32
        %dma_start3A_176 = tpu.memref_slice %arg7[%add3A_174, %dma_start3A_175] : memref<160x128xi32, #tpu.memory_space<vmem>> -> memref<1x128xi32, #tpu.memory_space<vmem>>
        %dma_start3A_177 = tpu.memref_squeeze %dma_start3A_176 : memref<1x128xi32, #tpu.memory_space<vmem>> -> memref<128xi32, #tpu.memory_space<vmem>>
        %dma_start3A_178 = arith.constant 0 : i32
        %dma_start3A_179 = arith.constant 0 : i32
        %dma_start3A_180 = tpu.memref_slice %arg2[%dma_start3A_178, %dma_start3A_179] : memref<20000x64xf32, #tpu.memory_space<hbm>> -> memref<20000x64xf32, #tpu.memory_space<hbm>>
        tpu.enqueue_indirect_dma source(%dma_start3A_180 : memref<20000x64xf32, #tpu.memory_space<hbm>>) target(%arg13 : memref<128x64xf32, #tpu.memory_space<vmem>>) offsets(%dma_start3A_177 : memref<128xi32, #tpu.memory_space<vmem>>) semaphore(%arg19 : memref<!tpu.dma_semaphore, #tpu.memory_space<semaphore_mem>>)
      } else {
      }
      %add3A_106 = arith.constant 2 : i32
      %add3A_107 = arith.addi %mul3A_67, %add3A_106 : i32
      %dma_wait3A_108 = arith.constant 0 : i32
      %dma_wait3A_109 = tpu.memref_slice %arg7[%add3A_107, %dma_wait3A_108] : memref<160x128xi32, #tpu.memory_space<vmem>> -> memref<1x128xi32, #tpu.memory_space<vmem>>
      %dma_wait3A_110 = tpu.memref_squeeze %dma_wait3A_109 : memref<1x128xi32, #tpu.memory_space<vmem>> -> memref<128xi32, #tpu.memory_space<vmem>>
      %dma_wait3A_111 = arith.constant 0 : i32
      %dma_wait3A_112 = arith.constant 0 : i32
      %dma_wait3A_113 = tpu.memref_slice %arg2[%dma_wait3A_111, %dma_wait3A_112] : memref<20000x64xf32, #tpu.memory_space<hbm>> -> memref<20000x64xf32, #tpu.memory_space<hbm>>
      tpu.wait_indirect_dma semaphore(%arg17 : memref<!tpu.dma_semaphore, #tpu.memory_space<semaphore_mem>>) src(%dma_wait3A_113 : memref<20000x64xf32, #tpu.memory_space<hbm>>) dst(%arg11 : memref<128x64xf32, #tpu.memory_space<vmem>>)
      %dma_start3A_114 = arith.constant 0 : i32
      %dma_start3A_115 = tpu.memref_slice %arg8[%add3A_107, %dma_start3A_114] : memref<160x128xi32, #tpu.memory_space<vmem>> -> memref<1x128xi32, #tpu.memory_space<vmem>>
      %dma_start3A_116 = tpu.memref_squeeze %dma_start3A_115 : memref<1x128xi32, #tpu.memory_space<vmem>> -> memref<128xi32, #tpu.memory_space<vmem>>
      %dma_start3A_117 = arith.constant 0 : i32
      %dma_start3A_118 = arith.constant 0 : i32
      %dma_start3A_119 = tpu.memref_slice %arg14[%dma_start3A_117, %dma_start3A_118] : memref<10240x64xf32, #tpu.memory_space<vmem_shared>> -> memref<10240x64xf32, #tpu.memory_space<vmem_shared>>
      tpu.enqueue_indirect_dma source(%arg11 : memref<128x64xf32, #tpu.memory_space<vmem>>) target(%dma_start3A_119 : memref<10240x64xf32, #tpu.memory_space<vmem_shared>>) offsets(%dma_start3A_116 : memref<128xi32, #tpu.memory_space<vmem>>) semaphore(%arg22 : memref<!tpu.dma_semaphore, #tpu.memory_space<semaphore_mem>>) {add = true}
      %add3A_120 = arith.constant 3 : i32
      %add3A_121 = arith.addi %add3A_107, %add3A_120 : i32
      %lt3A_122 = arith.constant 160 : i32
      %lt3A_123 = arith.cmpi slt, %add3A_121, %lt3A_122 : i32
      %convert_element_type3A_124 = arith.extui %lt3A_123 : i1 to i32
      %cond3A_125 = arith.constant 0 : i32
      %cond3A_126 = arith.cmpi ne, %convert_element_type3A_124, %cond3A_125 : i32
      scf.if %cond3A_126 {
        %ge3A = arith.constant 2 : i32
        %ge3A_169 = arith.cmpi sge, %add3A_107, %ge3A : i32
        %convert_element_type3A_170 = arith.extui %ge3A_169 : i1 to i32
        %cond3A_171 = arith.constant 0 : i32
        %cond3A_172 = arith.cmpi ne, %convert_element_type3A_170, %cond3A_171 : i32
        scf.if %cond3A_172 {
          %sub3A = arith.constant 2 : i32
          %sub3A_181 = arith.subi %add3A_107, %sub3A : i32
          %dma_wait3A_182 = arith.constant 0 : i32
          %dma_wait3A_183 = tpu.memref_slice %arg8[%sub3A_181, %dma_wait3A_182] : memref<160x128xi32, #tpu.memory_space<vmem>> -> memref<1x128xi32, #tpu.memory_space<vmem>>
          %dma_wait3A_184 = tpu.memref_squeeze %dma_wait3A_183 : memref<1x128xi32, #tpu.memory_space<vmem>> -> memref<128xi32, #tpu.memory_space<vmem>>
          %dma_wait3A_185 = arith.constant 0 : i32
          %dma_wait3A_186 = arith.constant 0 : i32
          %dma_wait3A_187 = tpu.memref_slice %arg14[%dma_wait3A_185, %dma_wait3A_186] : memref<10240x64xf32, #tpu.memory_space<vmem_shared>> -> memref<10240x64xf32, #tpu.memory_space<vmem_shared>>
          tpu.wait_indirect_dma semaphore(%arg20 : memref<!tpu.dma_semaphore, #tpu.memory_space<semaphore_mem>>) src(%arg9 : memref<128x64xf32, #tpu.memory_space<vmem>>) dst(%dma_wait3A_187 : memref<10240x64xf32, #tpu.memory_space<vmem_shared>>)
        } else {
        }
        %add3A_173 = arith.constant 3 : i32
        %add3A_174 = arith.addi %add3A_107, %add3A_173 : i32
        %dma_start3A_175 = arith.constant 0 : i32
        %dma_start3A_176 = tpu.memref_slice %arg7[%add3A_174, %dma_start3A_175] : memref<160x128xi32, #tpu.memory_space<vmem>> -> memref<1x128xi32, #tpu.memory_space<vmem>>
        %dma_start3A_177 = tpu.memref_squeeze %dma_start3A_176 : memref<1x128xi32, #tpu.memory_space<vmem>> -> memref<128xi32, #tpu.memory_space<vmem>>
        %dma_start3A_178 = arith.constant 0 : i32
        %dma_start3A_179 = arith.constant 0 : i32
        %dma_start3A_180 = tpu.memref_slice %arg2[%dma_start3A_178, %dma_start3A_179] : memref<20000x64xf32, #tpu.memory_space<hbm>> -> memref<20000x64xf32, #tpu.memory_space<hbm>>
        tpu.enqueue_indirect_dma source(%dma_start3A_180 : memref<20000x64xf32, #tpu.memory_space<hbm>>) target(%arg9 : memref<128x64xf32, #tpu.memory_space<vmem>>) offsets(%dma_start3A_177 : memref<128xi32, #tpu.memory_space<vmem>>) semaphore(%arg15 : memref<!tpu.dma_semaphore, #tpu.memory_space<semaphore_mem>>)
      } else {
      }
      %add3A_127 = arith.constant 3 : i32
      %add3A_128 = arith.addi %mul3A_67, %add3A_127 : i32
      %dma_wait3A_129 = arith.constant 0 : i32
      %dma_wait3A_130 = tpu.memref_slice %arg7[%add3A_128, %dma_wait3A_129] : memref<160x128xi32, #tpu.memory_space<vmem>> -> memref<1x128xi32, #tpu.memory_space<vmem>>
      %dma_wait3A_131 = tpu.memref_squeeze %dma_wait3A_130 : memref<1x128xi32, #tpu.memory_space<vmem>> -> memref<128xi32, #tpu.memory_space<vmem>>
      %dma_wait3A_132 = arith.constant 0 : i32
      %dma_wait3A_133 = arith.constant 0 : i32
      %dma_wait3A_134 = tpu.memref_slice %arg2[%dma_wait3A_132, %dma_wait3A_133] : memref<20000x64xf32, #tpu.memory_space<hbm>> -> memref<20000x64xf32, #tpu.memory_space<hbm>>
      tpu.wait_indirect_dma semaphore(%arg18 : memref<!tpu.dma_semaphore, #tpu.memory_space<semaphore_mem>>) src(%dma_wait3A_134 : memref<20000x64xf32, #tpu.memory_space<hbm>>) dst(%arg12 : memref<128x64xf32, #tpu.memory_space<vmem>>)
      %dma_start3A_135 = arith.constant 0 : i32
      %dma_start3A_136 = tpu.memref_slice %arg8[%add3A_128, %dma_start3A_135] : memref<160x128xi32, #tpu.memory_space<vmem>> -> memref<1x128xi32, #tpu.memory_space<vmem>>
      %dma_start3A_137 = tpu.memref_squeeze %dma_start3A_136 : memref<1x128xi32, #tpu.memory_space<vmem>> -> memref<128xi32, #tpu.memory_space<vmem>>
      %dma_start3A_138 = arith.constant 0 : i32
      %dma_start3A_139 = arith.constant 0 : i32
      %dma_start3A_140 = tpu.memref_slice %arg14[%dma_start3A_138, %dma_start3A_139] : memref<10240x64xf32, #tpu.memory_space<vmem_shared>> -> memref<10240x64xf32, #tpu.memory_space<vmem_shared>>
      tpu.enqueue_indirect_dma source(%arg12 : memref<128x64xf32, #tpu.memory_space<vmem>>) target(%dma_start3A_140 : memref<10240x64xf32, #tpu.memory_space<vmem_shared>>) offsets(%dma_start3A_137 : memref<128xi32, #tpu.memory_space<vmem>>) semaphore(%arg23 : memref<!tpu.dma_semaphore, #tpu.memory_space<semaphore_mem>>) {add = true}
      %add3A_141 = arith.constant 3 : i32
      %add3A_142 = arith.addi %add3A_128, %add3A_141 : i32
      %lt3A_143 = arith.constant 160 : i32
      %lt3A_144 = arith.cmpi slt, %add3A_142, %lt3A_143 : i32
      %convert_element_type3A_145 = arith.extui %lt3A_144 : i1 to i32
      %cond3A_146 = arith.constant 0 : i32
      %cond3A_147 = arith.cmpi ne, %convert_element_type3A_145, %cond3A_146 : i32
      scf.if %cond3A_147 {
        %ge3A = arith.constant 2 : i32
        %ge3A_169 = arith.cmpi sge, %add3A_128, %ge3A : i32
        %convert_element_type3A_170 = arith.extui %ge3A_169 : i1 to i32
        %cond3A_171 = arith.constant 0 : i32
        %cond3A_172 = arith.cmpi ne, %convert_element_type3A_170, %cond3A_171 : i32
        scf.if %cond3A_172 {
          %sub3A = arith.constant 2 : i32
          %sub3A_181 = arith.subi %add3A_128, %sub3A : i32
          %dma_wait3A_182 = arith.constant 0 : i32
          %dma_wait3A_183 = tpu.memref_slice %arg8[%sub3A_181, %dma_wait3A_182] : memref<160x128xi32, #tpu.memory_space<vmem>> -> memref<1x128xi32, #tpu.memory_space<vmem>>
          %dma_wait3A_184 = tpu.memref_squeeze %dma_wait3A_183 : memref<1x128xi32, #tpu.memory_space<vmem>> -> memref<128xi32, #tpu.memory_space<vmem>>
          %dma_wait3A_185 = arith.constant 0 : i32
          %dma_wait3A_186 = arith.constant 0 : i32
          %dma_wait3A_187 = tpu.memref_slice %arg14[%dma_wait3A_185, %dma_wait3A_186] : memref<10240x64xf32, #tpu.memory_space<vmem_shared>> -> memref<10240x64xf32, #tpu.memory_space<vmem_shared>>
          tpu.wait_indirect_dma semaphore(%arg21 : memref<!tpu.dma_semaphore, #tpu.memory_space<semaphore_mem>>) src(%arg10 : memref<128x64xf32, #tpu.memory_space<vmem>>) dst(%dma_wait3A_187 : memref<10240x64xf32, #tpu.memory_space<vmem_shared>>)
        } else {
        }
        %add3A_173 = arith.constant 3 : i32
        %add3A_174 = arith.addi %add3A_128, %add3A_173 : i32
        %dma_start3A_175 = arith.constant 0 : i32
        %dma_start3A_176 = tpu.memref_slice %arg7[%add3A_174, %dma_start3A_175] : memref<160x128xi32, #tpu.memory_space<vmem>> -> memref<1x128xi32, #tpu.memory_space<vmem>>
        %dma_start3A_177 = tpu.memref_squeeze %dma_start3A_176 : memref<1x128xi32, #tpu.memory_space<vmem>> -> memref<128xi32, #tpu.memory_space<vmem>>
        %dma_start3A_178 = arith.constant 0 : i32
        %dma_start3A_179 = arith.constant 0 : i32
        %dma_start3A_180 = tpu.memref_slice %arg2[%dma_start3A_178, %dma_start3A_179] : memref<20000x64xf32, #tpu.memory_space<hbm>> -> memref<20000x64xf32, #tpu.memory_space<hbm>>
        tpu.enqueue_indirect_dma source(%dma_start3A_180 : memref<20000x64xf32, #tpu.memory_space<hbm>>) target(%arg10 : memref<128x64xf32, #tpu.memory_space<vmem>>) offsets(%dma_start3A_177 : memref<128xi32, #tpu.memory_space<vmem>>) semaphore(%arg16 : memref<!tpu.dma_semaphore, #tpu.memory_space<semaphore_mem>>)
      } else {
      }
      %add3A_148 = arith.constant 4 : i32
      %add3A_149 = arith.addi %mul3A_67, %add3A_148 : i32
      %dma_wait3A_150 = arith.constant 0 : i32
      %dma_wait3A_151 = tpu.memref_slice %arg7[%add3A_149, %dma_wait3A_150] : memref<160x128xi32, #tpu.memory_space<vmem>> -> memref<1x128xi32, #tpu.memory_space<vmem>>
      %dma_wait3A_152 = tpu.memref_squeeze %dma_wait3A_151 : memref<1x128xi32, #tpu.memory_space<vmem>> -> memref<128xi32, #tpu.memory_space<vmem>>
      %dma_wait3A_153 = arith.constant 0 : i32
      %dma_wait3A_154 = arith.constant 0 : i32
      %dma_wait3A_155 = tpu.memref_slice %arg2[%dma_wait3A_153, %dma_wait3A_154] : memref<20000x64xf32, #tpu.memory_space<hbm>> -> memref<20000x64xf32, #tpu.memory_space<hbm>>
      tpu.wait_indirect_dma semaphore(%arg19 : memref<!tpu.dma_semaphore, #tpu.memory_space<semaphore_mem>>) src(%dma_wait3A_155 : memref<20000x64xf32, #tpu.memory_space<hbm>>) dst(%arg13 : memref<128x64xf32, #tpu.memory_space<vmem>>)
      %dma_start3A_156 = arith.constant 0 : i32
      %dma_start3A_157 = tpu.memref_slice %arg8[%add3A_149, %dma_start3A_156] : memref<160x128xi32, #tpu.memory_space<vmem>> -> memref<1x128xi32, #tpu.memory_space<vmem>>
      %dma_start3A_158 = tpu.memref_squeeze %dma_start3A_157 : memref<1x128xi32, #tpu.memory_space<vmem>> -> memref<128xi32, #tpu.memory_space<vmem>>
      %dma_start3A_159 = arith.constant 0 : i32
      %dma_start3A_160 = arith.constant 0 : i32
      %dma_start3A_161 = tpu.memref_slice %arg14[%dma_start3A_159, %dma_start3A_160] : memref<10240x64xf32, #tpu.memory_space<vmem_shared>> -> memref<10240x64xf32, #tpu.memory_space<vmem_shared>>
      tpu.enqueue_indirect_dma source(%arg13 : memref<128x64xf32, #tpu.memory_space<vmem>>) target(%dma_start3A_161 : memref<10240x64xf32, #tpu.memory_space<vmem_shared>>) offsets(%dma_start3A_158 : memref<128xi32, #tpu.memory_space<vmem>>) semaphore(%arg24 : memref<!tpu.dma_semaphore, #tpu.memory_space<semaphore_mem>>) {add = true}
      %add3A_162 = arith.constant 3 : i32
      %add3A_163 = arith.addi %add3A_149, %add3A_162 : i32
      %lt3A_164 = arith.constant 160 : i32
      %lt3A_165 = arith.cmpi slt, %add3A_163, %lt3A_164 : i32
      %convert_element_type3A_166 = arith.extui %lt3A_165 : i1 to i32
      %cond3A_167 = arith.constant 0 : i32
      %cond3A_168 = arith.cmpi ne, %convert_element_type3A_166, %cond3A_167 : i32
      scf.if %cond3A_168 {
        %ge3A = arith.constant 2 : i32
        %ge3A_169 = arith.cmpi sge, %add3A_149, %ge3A : i32
        %convert_element_type3A_170 = arith.extui %ge3A_169 : i1 to i32
        %cond3A_171 = arith.constant 0 : i32
        %cond3A_172 = arith.cmpi ne, %convert_element_type3A_170, %cond3A_171 : i32
        scf.if %cond3A_172 {
          %sub3A = arith.constant 2 : i32
          %sub3A_181 = arith.subi %add3A_149, %sub3A : i32
          %dma_wait3A_182 = arith.constant 0 : i32
          %dma_wait3A_183 = tpu.memref_slice %arg8[%sub3A_181, %dma_wait3A_182] : memref<160x128xi32, #tpu.memory_space<vmem>> -> memref<1x128xi32, #tpu.memory_space<vmem>>
          %dma_wait3A_184 = tpu.memref_squeeze %dma_wait3A_183 : memref<1x128xi32, #tpu.memory_space<vmem>> -> memref<128xi32, #tpu.memory_space<vmem>>
          %dma_wait3A_185 = arith.constant 0 : i32
          %dma_wait3A_186 = arith.constant 0 : i32
          %dma_wait3A_187 = tpu.memref_slice %arg14[%dma_wait3A_185, %dma_wait3A_186] : memref<10240x64xf32, #tpu.memory_space<vmem_shared>> -> memref<10240x64xf32, #tpu.memory_space<vmem_shared>>
          tpu.wait_indirect_dma semaphore(%arg22 : memref<!tpu.dma_semaphore, #tpu.memory_space<semaphore_mem>>) src(%arg11 : memref<128x64xf32, #tpu.memory_space<vmem>>) dst(%dma_wait3A_187 : memref<10240x64xf32, #tpu.memory_space<vmem_shared>>)
        } else {
        }
        %add3A_173 = arith.constant 3 : i32
        %add3A_174 = arith.addi %add3A_149, %add3A_173 : i32
        %dma_start3A_175 = arith.constant 0 : i32
        %dma_start3A_176 = tpu.memref_slice %arg7[%add3A_174, %dma_start3A_175] : memref<160x128xi32, #tpu.memory_space<vmem>> -> memref<1x128xi32, #tpu.memory_space<vmem>>
        %dma_start3A_177 = tpu.memref_squeeze %dma_start3A_176 : memref<1x128xi32, #tpu.memory_space<vmem>> -> memref<128xi32, #tpu.memory_space<vmem>>
        %dma_start3A_178 = arith.constant 0 : i32
        %dma_start3A_179 = arith.constant 0 : i32
        %dma_start3A_180 = tpu.memref_slice %arg2[%dma_start3A_178, %dma_start3A_179] : memref<20000x64xf32, #tpu.memory_space<hbm>> -> memref<20000x64xf32, #tpu.memory_space<hbm>>
        tpu.enqueue_indirect_dma source(%dma_start3A_180 : memref<20000x64xf32, #tpu.memory_space<hbm>>) target(%arg11 : memref<128x64xf32, #tpu.memory_space<vmem>>) offsets(%dma_start3A_177 : memref<128xi32, #tpu.memory_space<vmem>>) semaphore(%arg17 : memref<!tpu.dma_semaphore, #tpu.memory_space<semaphore_mem>>)
      } else {
      }
    }
    %scan3A_25 = arith.constant 32 : i32
    %dma_wait3A = arith.constant 155 : i32
    %dma_wait3A_26 = arith.constant 0 : i32
    %dma_wait3A_27 = tpu.memref_slice %arg8[%dma_wait3A, %dma_wait3A_26] : memref<160x128xi32, #tpu.memory_space<vmem>> -> memref<1x128xi32, #tpu.memory_space<vmem>>
    %dma_wait3A_28 = tpu.memref_squeeze %dma_wait3A_27 : memref<1x128xi32, #tpu.memory_space<vmem>> -> memref<128xi32, #tpu.memory_space<vmem>>
    %dma_wait3A_29 = arith.constant 0 : i32
    %dma_wait3A_30 = arith.constant 0 : i32
    %dma_wait3A_31 = tpu.memref_slice %arg14[%dma_wait3A_29, %dma_wait3A_30] : memref<10240x64xf32, #tpu.memory_space<vmem_shared>> -> memref<10240x64xf32, #tpu.memory_space<vmem_shared>>
    tpu.wait_indirect_dma semaphore(%arg20 : memref<!tpu.dma_semaphore, #tpu.memory_space<semaphore_mem>>) src(%arg9 : memref<128x64xf32, #tpu.memory_space<vmem>>) dst(%dma_wait3A_31 : memref<10240x64xf32, #tpu.memory_space<vmem_shared>>)
    %dma_wait3A_32 = arith.constant 156 : i32
    %dma_wait3A_33 = arith.constant 0 : i32
    %dma_wait3A_34 = tpu.memref_slice %arg8[%dma_wait3A_32, %dma_wait3A_33] : memref<160x128xi32, #tpu.memory_space<vmem>> -> memref<1x128xi32, #tpu.memory_space<vmem>>
    %dma_wait3A_35 = tpu.memref_squeeze %dma_wait3A_34 : memref<1x128xi32, #tpu.memory_space<vmem>> -> memref<128xi32, #tpu.memory_space<vmem>>
    %dma_wait3A_36 = arith.constant 0 : i32
    %dma_wait3A_37 = arith.constant 0 : i32
    %dma_wait3A_38 = tpu.memref_slice %arg14[%dma_wait3A_36, %dma_wait3A_37] : memref<10240x64xf32, #tpu.memory_space<vmem_shared>> -> memref<10240x64xf32, #tpu.memory_space<vmem_shared>>
    tpu.wait_indirect_dma semaphore(%arg21 : memref<!tpu.dma_semaphore, #tpu.memory_space<semaphore_mem>>) src(%arg10 : memref<128x64xf32, #tpu.memory_space<vmem>>) dst(%dma_wait3A_38 : memref<10240x64xf32, #tpu.memory_space<vmem_shared>>)
    %dma_wait3A_39 = arith.constant 157 : i32
    %dma_wait3A_40 = arith.constant 0 : i32
    %dma_wait3A_41 = tpu.memref_slice %arg8[%dma_wait3A_39, %dma_wait3A_40] : memref<160x128xi32, #tpu.memory_space<vmem>> -> memref<1x128xi32, #tpu.memory_space<vmem>>
    %dma_wait3A_42 = tpu.memref_squeeze %dma_wait3A_41 : memref<1x128xi32, #tpu.memory_space<vmem>> -> memref<128xi32, #tpu.memory_space<vmem>>
    %dma_wait3A_43 = arith.constant 0 : i32
    %dma_wait3A_44 = arith.constant 0 : i32
    %dma_wait3A_45 = tpu.memref_slice %arg14[%dma_wait3A_43, %dma_wait3A_44] : memref<10240x64xf32, #tpu.memory_space<vmem_shared>> -> memref<10240x64xf32, #tpu.memory_space<vmem_shared>>
    tpu.wait_indirect_dma semaphore(%arg22 : memref<!tpu.dma_semaphore, #tpu.memory_space<semaphore_mem>>) src(%arg11 : memref<128x64xf32, #tpu.memory_space<vmem>>) dst(%dma_wait3A_45 : memref<10240x64xf32, #tpu.memory_space<vmem_shared>>)
    %dma_wait3A_46 = arith.constant 158 : i32
    %dma_wait3A_47 = arith.constant 0 : i32
    %dma_wait3A_48 = tpu.memref_slice %arg8[%dma_wait3A_46, %dma_wait3A_47] : memref<160x128xi32, #tpu.memory_space<vmem>> -> memref<1x128xi32, #tpu.memory_space<vmem>>
    %dma_wait3A_49 = tpu.memref_squeeze %dma_wait3A_48 : memref<1x128xi32, #tpu.memory_space<vmem>> -> memref<128xi32, #tpu.memory_space<vmem>>
    %dma_wait3A_50 = arith.constant 0 : i32
    %dma_wait3A_51 = arith.constant 0 : i32
    %dma_wait3A_52 = tpu.memref_slice %arg14[%dma_wait3A_50, %dma_wait3A_51] : memref<10240x64xf32, #tpu.memory_space<vmem_shared>> -> memref<10240x64xf32, #tpu.memory_space<vmem_shared>>
    tpu.wait_indirect_dma semaphore(%arg23 : memref<!tpu.dma_semaphore, #tpu.memory_space<semaphore_mem>>) src(%arg12 : memref<128x64xf32, #tpu.memory_space<vmem>>) dst(%dma_wait3A_52 : memref<10240x64xf32, #tpu.memory_space<vmem_shared>>)
    %dma_wait3A_53 = arith.constant 159 : i32
    %dma_wait3A_54 = arith.constant 0 : i32
    %dma_wait3A_55 = tpu.memref_slice %arg8[%dma_wait3A_53, %dma_wait3A_54] : memref<160x128xi32, #tpu.memory_space<vmem>> -> memref<1x128xi32, #tpu.memory_space<vmem>>
    %dma_wait3A_56 = tpu.memref_squeeze %dma_wait3A_55 : memref<1x128xi32, #tpu.memory_space<vmem>> -> memref<128xi32, #tpu.memory_space<vmem>>
    %dma_wait3A_57 = arith.constant 0 : i32
    %dma_wait3A_58 = arith.constant 0 : i32
    %dma_wait3A_59 = tpu.memref_slice %arg14[%dma_wait3A_57, %dma_wait3A_58] : memref<10240x64xf32, #tpu.memory_space<vmem_shared>> -> memref<10240x64xf32, #tpu.memory_space<vmem_shared>>
    tpu.wait_indirect_dma semaphore(%arg24 : memref<!tpu.dma_semaphore, #tpu.memory_space<semaphore_mem>>) src(%arg13 : memref<128x64xf32, #tpu.memory_space<vmem>>) dst(%dma_wait3A_59 : memref<10240x64xf32, #tpu.memory_space<vmem_shared>>)
    %barrier3A_60 = arith.constant 0 : index
    tpu.barrier barrier_id(%barrier3A_60)
    %mul3A_61 = arith.constant 640 : i32
    %mul3A_62 = arith.muli %arg1, %mul3A_61 : i32
    %mul3A_63 = arith.constant 640 : i32
    %mul3A_64 = arith.muli %arg1, %mul3A_63 : i32
    "tpu.region"() ({
      %run_scoped3A = tpu.sem_alloc : memref<!tpu.dma_semaphore, #tpu.memory_space<semaphore_mem>>
      %dma_start3A_65 = arith.constant 0 : i32
      %dma_start3A_66 = tpu.memref_slice %arg6[%arg0, %mul3A_64, %dma_start3A_65] : memref<2x10240x64xf32, #tpu.memory_space<hbm>> -> memref<1x640x64xf32, #tpu.memory_space<hbm>>
      %dma_start3A_67 = tpu.memref_squeeze %dma_start3A_66 : memref<1x640x64xf32, #tpu.memory_space<hbm>> -> memref<640x64xf32, #tpu.memory_space<hbm>>
      %dma_start3A_68 = arith.constant 0 : i32
      %dma_start3A_69 = tpu.memref_slice %arg14[%mul3A_62, %dma_start3A_68] : memref<10240x64xf32, #tpu.memory_space<vmem_shared>> -> memref<640x64xf32, #tpu.memory_space<vmem_shared>>
      tpu.enqueue_dma source(%dma_start3A_69 : memref<640x64xf32, #tpu.memory_space<vmem_shared>>) target(%dma_start3A_67 : memref<640x64xf32, #tpu.memory_space<hbm>>) target_semaphore(%run_scoped3A : memref<!tpu.dma_semaphore, #tpu.memory_space<semaphore_mem>>)
      %dma_wait3A_70 = arith.constant 0 : i32
      %dma_wait3A_71 = tpu.memref_slice %arg6[%arg0, %mul3A_64, %dma_wait3A_70] : memref<2x10240x64xf32, #tpu.memory_space<hbm>> -> memref<1x640x64xf32, #tpu.memory_space<hbm>>
      %dma_wait3A_72 = tpu.memref_squeeze %dma_wait3A_71 : memref<1x640x64xf32, #tpu.memory_space<hbm>> -> memref<640x64xf32, #tpu.memory_space<hbm>>
      %dma_wait3A_73 = arith.constant 0 : i32
      %dma_wait3A_74 = tpu.memref_slice %arg14[%mul3A_62, %dma_wait3A_73] : memref<10240x64xf32, #tpu.memory_space<vmem_shared>> -> memref<640x64xf32, #tpu.memory_space<vmem_shared>>
      tpu.wait_dma2 semaphore(%run_scoped3A : memref<!tpu.dma_semaphore, #tpu.memory_space<semaphore_mem>>) src(%dma_wait3A_74 : memref<640x64xf32, #tpu.memory_space<vmem_shared>>) dst(%dma_wait3A_72 : memref<640x64xf32, #tpu.memory_space<hbm>>)
      tpu.yield
    }) : () -> ()
    return
  }
}

module attributes {stable_mosaic.version = 14 : i64} {
  func.func @_prescale_body(%arg0: i32, %arg1: memref<2000x128xf32, #tpu.memory_space<vmem>>, %arg2: memref<128x128xf32, #tpu.memory_space<vmem>>, %arg3: memref<2000x2xf32, #tpu.memory_space<vmem>>, %arg4: memref<2000x128xf32, #tpu.memory_space<vmem>>) attributes {dimension_semantics = [#tpu.dimension_semantics<arbitrary>], iteration_bounds = array<i64: 5>, scalar_prefetch = 0 : i64, scratch_operands = 0 : i64, tpu.core_type = #tpu.core_type<tc>, window_params = [{transform_indices = @transform_0, window_bounds = array<i64: 2000, 128>}, {pipeline_mode = #tpu.pipeline_mode<synchronous>, transform_indices = @transform_1, window_bounds = array<i64: 128, 128>}, {transform_indices = @transform_2, window_bounds = array<i64: 2000, 2>}, {transform_indices = @transform_3, window_bounds = array<i64: 2000, 128>}]} {
    %get3A = arith.constant 0 : index
    %get3A_0 = arith.constant 0 : index
    %get3A_1 = vector.load %arg3[%get3A, %get3A_0] : memref<2000x2xf32, #tpu.memory_space<vmem>>, vector<2000x1xf32>
    %get3A_2 = arith.constant 0 : index
    %get3A_3 = arith.constant 1 : index
    %get3A_4 = vector.load %arg3[%get3A_2, %get3A_3] : memref<2000x2xf32, #tpu.memory_space<vmem>>, vector<2000x1xf32>
    %add3A = arith.addf %get3A_1, %get3A_4 : vector<2000x1xf32>
    %add3A_5 = arith.constant 1.000000e+00 : f32
    %add3A_6 = vector.broadcast %add3A_5 : f32 to vector<2000x1xf32>
    %add3A_7 = arith.addf %add3A, %add3A_6 : vector<2000x1xf32>
    %rsqrt3A = math.rsqrt %add3A_7 : vector<2000x1xf32>
    %get3A_8 = arith.constant 0 : index
    %get3A_9 = arith.constant 0 : index
    %get3A_10 = vector.load %arg1[%get3A_8, %get3A_9] : memref<2000x128xf32, #tpu.memory_space<vmem>>, vector<2000x128xf32>
    %get3A_11 = arith.constant 0 : index
    %get3A_12 = arith.constant 0 : index
    %get3A_13 = vector.load %arg2[%get3A_11, %get3A_12] : memref<128x128xf32, #tpu.memory_space<vmem>>, vector<128x128xf32>
    %dot_general3A = arith.constant dense<0.000000e+00> : vector<2000x128xf32>
    %dot_general3A_14 = tpu.matmul %get3A_10, %get3A_13, %dot_general3A {dimension_numbers = #tpu.dot_dimension_numbers<[1], [0], [0], [1], [0, 0, 1, 1], [], []>, transpose_lhs_hint = false} : vector<2000x128xf32>, vector<128x128xf32>, vector<2000x128xf32> -> vector<2000x128xf32>
    %mul3A = vector.broadcast %rsqrt3A : vector<2000x1xf32> to vector<2000x128xf32>
    %mul3A_15 = arith.mulf %dot_general3A_14, %mul3A : vector<2000x128xf32>
    %swap3A = arith.constant 0 : index
    %swap3A_16 = arith.constant 0 : index
    %swap3A_17 = vector.load %arg4[%swap3A, %swap3A_16] : memref<2000x128xf32, #tpu.memory_space<vmem>>, vector<2000x128xf32>
    tpu.vector_store %arg4[%swap3A, %swap3A_16], %mul3A_15 {strides = array<i32>} : memref<2000x128xf32, #tpu.memory_space<vmem>>, vector<2000x128xf32>,
    return
  }
  func.func @transform_0(%arg0: i32) -> (i32, i32) {
    %c0_i32 = arith.constant 0 : i32
    %c0_i32_0 = arith.constant 0 : i32
    return %arg0, %c0_i32 : i32, i32
  }
  func.func @transform_1(%arg0: i32) -> (i32, i32) {
    %c0_i32 = arith.constant 0 : i32
    %c0_i32_0 = arith.constant 0 : i32
    %c0_i32_1 = arith.constant 0 : i32
    return %c0_i32, %c0_i32_0 : i32, i32
  }
  func.func @transform_2(%arg0: i32) -> (i32, i32) {
    %c0_i32 = arith.constant 0 : i32
    %c0_i32_0 = arith.constant 0 : i32
    return %arg0, %c0_i32 : i32, i32
  }
  func.func @transform_3(%arg0: i32) -> (i32, i32) {
    %c0_i32 = arith.constant 0 : i32
    %c0_i32_0 = arith.constant 0 : i32
    return %arg0, %c0_i32 : i32, i32
  }
}

module attributes {stable_mosaic.version = 14 : i64} {
  func.func @_final_body(%arg0: i32, %arg1: memref<2x2000x64xf32, #tpu.memory_space<vmem>>, %arg2: memref<2000x128xf32, #tpu.memory_space<vmem>>, %arg3: memref<2000x2xf32, #tpu.memory_space<vmem>>, %arg4: memref<1x128xf32, #tpu.memory_space<vmem>>, %arg5: memref<2000x128xf32, #tpu.memory_space<vmem>>) attributes {dimension_semantics = [#tpu.dimension_semantics<arbitrary>], iteration_bounds = array<i64: 5>, scalar_prefetch = 0 : i64, scratch_operands = 0 : i64, tpu.core_type = #tpu.core_type<tc>, window_params = [{transform_indices = @transform_0, window_bounds = array<i64: 2, 2000, 64>}, {transform_indices = @transform_1, window_bounds = array<i64: 2000, 128>}, {transform_indices = @transform_2, window_bounds = array<i64: 2000, 2>}, {pipeline_mode = #tpu.pipeline_mode<synchronous>, transform_indices = @transform_3, window_bounds = array<i64: 1, 128>}, {transform_indices = @transform_4, window_bounds = array<i64: 2000, 128>}]} {
    %get3A = arith.constant 0 : index
    %get3A_0 = arith.constant 0 : index
    %get3A_1 = arith.constant 0 : index
    %get3A_2 = vector.load %arg1[%get3A, %get3A_0, %get3A_1] : memref<2x2000x64xf32, #tpu.memory_space<vmem>>, vector<1x2000x64xf32>
    %get3A_3 = vector.shape_cast %get3A_2 : vector<1x2000x64xf32> to vector<2000x64xf32>
    %get3A_4 = arith.constant 1 : index
    %get3A_5 = arith.constant 0 : index
    %get3A_6 = arith.constant 0 : index
    %get3A_7 = vector.load %arg1[%get3A_4, %get3A_5, %get3A_6] : memref<2x2000x64xf32, #tpu.memory_space<vmem>>, vector<1x2000x64xf32>
    %get3A_8 = vector.shape_cast %get3A_7 : vector<1x2000x64xf32> to vector<2000x64xf32>
    %concatenate3A = tpu.concatenate %get3A_3, %get3A_8 in 1 : vector<2000x64xf32>, vector<2000x64xf32> -> vector<2000x128xf32>
    %get3A_9 = arith.constant 0 : index
    %get3A_10 = arith.constant 0 : index
    %get3A_11 = vector.load %arg3[%get3A_9, %get3A_10] : memref<2000x2xf32, #tpu.memory_space<vmem>>, vector<2000x1xf32>
    %get3A_12 = arith.constant 0 : index
    %get3A_13 = arith.constant 1 : index
    %get3A_14 = vector.load %arg3[%get3A_12, %get3A_13] : memref<2000x2xf32, #tpu.memory_space<vmem>>, vector<2000x1xf32>
    %add3A = arith.addf %get3A_11, %get3A_14 : vector<2000x1xf32>
    %add3A_15 = arith.constant 1.000000e+00 : f32
    %add3A_16 = vector.broadcast %add3A_15 : f32 to vector<2000x1xf32>
    %add3A_17 = arith.addf %add3A, %add3A_16 : vector<2000x1xf32>
    %rsqrt3A = math.rsqrt %add3A_17 : vector<2000x1xf32>
    %get3A_18 = arith.constant 0 : index
    %get3A_19 = arith.constant 0 : index
    %get3A_20 = vector.load %arg2[%get3A_18, %get3A_19] : memref<2000x128xf32, #tpu.memory_space<vmem>>, vector<2000x128xf32>
    %add3A_21 = arith.addf %concatenate3A, %get3A_20 : vector<2000x128xf32>
    %mul3A = vector.broadcast %rsqrt3A : vector<2000x1xf32> to vector<2000x128xf32>
    %mul3A_22 = arith.mulf %mul3A, %add3A_21 : vector<2000x128xf32>
    %get3A_23 = arith.constant 0 : index
    %get3A_24 = arith.constant 0 : index
    %get3A_25 = vector.load %arg4[%get3A_23, %get3A_24] : memref<1x128xf32, #tpu.memory_space<vmem>>, vector<1x128xf32>
    %get3A_26 = vector.shape_cast %get3A_25 : vector<1x128xf32> to vector<128xf32>
    %broadcast_in_dim3A = vector.shape_cast %get3A_26 : vector<128xf32> to vector<1x128xf32>
    %add3A_27 = vector.broadcast %broadcast_in_dim3A : vector<1x128xf32> to vector<2000x128xf32>
    %add3A_28 = arith.addf %mul3A_22, %add3A_27 : vector<2000x128xf32>
    %max3A = arith.constant 0.000000e+00 : f32
    %max3A_29 = vector.broadcast %max3A : f32 to vector<2000x128xf32>
    %max3A_30 = arith.maximumf %add3A_28, %max3A_29 : vector<2000x128xf32>
    %swap3A = arith.constant 0 : index
    %swap3A_31 = arith.constant 0 : index
    %swap3A_32 = vector.load %arg5[%swap3A, %swap3A_31] : memref<2000x128xf32, #tpu.memory_space<vmem>>, vector<2000x128xf32>
    tpu.vector_store %arg5[%swap3A, %swap3A_31], %max3A_30 {strides = array<i32>} : memref<2000x128xf32, #tpu.memory_space<vmem>>, vector<2000x128xf32>,
    return
  }
  func.func @transform_0(%arg0: i32) -> (i32, i32, i32) {
    %c0_i32 = arith.constant 0 : i32
    %c0_i32_0 = arith.constant 0 : i32
    %c0_i32_1 = arith.constant 0 : i32
    return %c0_i32, %arg0, %c0_i32_0 : i32, i32, i32
  }
  func.func @transform_1(%arg0: i32) -> (i32, i32) {
    %c0_i32 = arith.constant 0 : i32
    %c0_i32_0 = arith.constant 0 : i32
    return %arg0, %c0_i32 : i32, i32
  }
  func.func @transform_2(%arg0: i32) -> (i32, i32) {
    %c0_i32 = arith.constant 0 : i32
    %c0_i32_0 = arith.constant 0 : i32
    return %arg0, %c0_i32 : i32, i32
  }
  func.func @transform_3(%arg0: i32) -> (i32, i32) {
    %c0_i32 = arith.constant 0 : i32
    %c0_i32_0 = arith.constant 0 : i32
    %c0_i32_1 = arith.constant 0 : i32
    return %c0_i32, %c0_i32_0 : i32, i32
  }
  func.func @transform_4(%arg0: i32) -> (i32, i32) {
    %c0_i32 = arith.constant 0 : i32
    %c0_i32_0 = arith.constant 0 : i32
    return %arg0, %c0_i32 : i32, i32
  }
}

</mosaic_0001>

<sc_bundles>
// kernel: kernel.6.cloned.1.call-start
scs
__scs_entry_jumppad:
0x0: {  	(pc) =	sbr.rel $0x88, $3  }
0x1: {  	(tag) =	ssettag $0x0;
	lr =	simm.s32 $0x1  }
0x2: {  	[smem:$0x3F9D] =	sst lr;
	_ =	strace $0xD0000000  }
0x3: {  	_ = 	snop  }
0x4: {  	_ = 	snop  }
0x5: {  	_ = 	snop  }
0x6: {  	_ = 	snop  }
0x7: {  	_ = 	snop  }
__scs_overlays_trampoline_lowered:
0x8: {  	[smem:$0x3FAC] =	sst s0  }
0x9: {  	[smem:$0x3FAD] =	sst s1  }
0xa: {  	[smem:$0x3FAE] =	sst s2  }
0xb: {  	[smem:$0x3FAF] =	sst s3  }
0xc: {  	[smem:$0x3FB0] =	sst s4  }
0xd: {  	[smem:$0x3FB1] =	sst s5  }
0xe: {  	[smem:$0x3FB2] =	sst s6  }
0xf: {  	[smem:$0x3FB3] =	sst s7  }
0x10: {  	[smem:$0x3FB4] =	sst s8  }
0x11: {  	[smem:$0x3FB5] =	sst s9;
	s0 =	simm.s32 @!p0 $0x0  }
0x12: {  	s1 =	sld [smem:$0x3F9B];
	s0 =	simm.s32 @p0 $0x1  }
0x13: {  	[smem:$0x3FB6] =	sst s0;
	s0 =	simm.s32 @!p1 $0x0  }
0x14: {  	s2 =	sld [smem:$0x3F9A];
	s0 =	simm.s32 @p1 $0x1  }
0x15: {  	[smem:$0x3FB7] =	sst s0;
	s0 =	simm.s32 @!p2 $0x0  }
0x16: {  	s3 =	sld [smem:$0x3FDB];
	s0 =	simm.s32 @p2 $0x1  }
0x17: {  	s4 =	simm.s32 $0x1BF5;
	[smem:$0x3FB9] =	sst s0  }
0x18: {  	s0 =	sld [smem:$0x3F9C];
	_ =	swait.ge [sflag:s4], $0x0  }
0x19: {  	s7 =	sld [smem:$0x3F9D]  }
0x1a: {  	s8 =	sadd.s32 $0xFFFFE003, lr  }
0x1b: {  	s9 =	sadd.s32 $0xFFFFFEF7, lr;
	s5 =	simm.s32 $0xFFFFFFFF;
	p2 =	slt.u32 s8, $0xFFFFF086  }
0x1c: {  	p1 =	slt.u32 s9, $0xF7A;
	s5 =	simm.s32 @!p2 $0x0  }
0x1d: {  	s5 =	simm.s32 @p1 $0x1;
	p0 =	seq.s32 s7, s2  }
0x1e: {  	s7 =	smul.u32 @!p0 $0xF7A, s2;
	p2 =	seq.s32 @!p0 s5, $0x0  }
0x1f: {  	s9 =	smul.u32 $0xF7A, s1;
	s8 =	simm.s32 @!p0 $0x1BF5;
	p2 =	por !p2, p0  }
0x20: {  	[sflag:s8] =	ssyncset.s32 @!p0 $0xFFFFF086;
	s6 =	sadd.s32 @!p0 s3, s7;
	s7 =	simm.s32 @!p0 $0x108  }
0x21: {  	s3 =	sadd.s32 s3, s9;
	s6 =	sadd.s32 @!p0 $0x88, s6;
	s7 =	simm.s32 @p2 $0x1082  }
0x22: {  	[simem:s7], [sflag:s8] =	dma.local @!p0 [hbm:s6], $0xF7A  }
0x23: {  	s9 =	sor.u32 $0xD0000000, s2;
	s6 =	simm.s32 $0x108;
	_ =	swait.ge @!p0 [sflag:s8], $0x0  }
0x24: {  	s3 =	sadd.s32 $0x88, s3;
	s6 =	simm.s32 @!p1 $0x1082;
	[sflag:s4] =	ssyncset.s32 $0xFFFFF086  }
0x25: {  	[simem:s6], [sflag:s4] =	dma.local [hbm:s3], $0xF7A  }
0x26: {  	[smem:$0x3F9D] =	sst s1;
	(tag) =	ssettag s2;
	_ =	strace s9  }
0x27: {  	s1 =	sld [smem:$0x3FAD]  }
0x28: {  	s2 =	sld [smem:$0x3FAE]  }
0x29: {  	s4 =	sld [smem:$0x3FB0]  }
0x2a: {  	p0 =	seq.s32 s5, $0x0;
	s5 =	sld [smem:$0x3FB1]  }
0x2b: {  	s6 =	sld [smem:$0x3FB2]  }
0x2c: {  	s7 =	sld [smem:$0x3FB3]  }
0x2d: {  	s3 =	simm.s32 $0x108;
	s8 =	sld [smem:$0x3FB4]  }
0x2e: {  	s3 =	simm.s32 @!p0 $0x1082;
	s9 =	sld [smem:$0x3FB5]  }
0x2f: {  	lr =	sadd.s32 s0, s3;
	s0 =	sld [smem:$0x3FAC]  }
0x30: {  	s3 =	sld [smem:$0x3FAF]  }
0x31: {  	[smem:$0x3FB8] =	sst s10  }
0x32: {  	s10 =	sld [smem:$0x3FB6];
	_ =	sdelay $0x3  }
0x33: {  	p0 =	seq.s32 s10, $0x1;
	s10 =	sld [smem:$0x3FB8];
	_ =	sdelay $0x3  }
0x34: {  	[smem:$0x3FB8] =	sst s10  }
0x35: {  	s10 =	sld [smem:$0x3FB7];
	_ =	sdelay $0x3  }
0x36: {  	p1 =	seq.s32 s10, $0x1;
	s10 =	sld [smem:$0x3FB8];
	_ =	sdelay $0x3  }
0x37: {  	[smem:$0x3FB8] =	sst s10  }
0x38: {  	s10 =	sld [smem:$0x3FB9]  }
0x39: {  	_ = 	snop;
	(pc) =	sbr.ind lr, $3  }
0x3a: {  	_ = 	snop  }
0x3b: {  	_ = 	snop  }
0x3c: {  	p2 =	seq.s32 s10, $0x1;
	s10 =	sld [smem:$0x3FB8]  }
0x3d: {  	_ =	shalt  }
0x3e: {  	_ =	shalt  }
0x3f: {  	_ =	shalt  }
0x40: {  	_ =	shalt  }
0x41: {  	_ =	shalt  }
0x42: {  	_ =	shalt  }
0x43: {  	_ =	shalt  }
0x44: {  	_ =	shalt  }
0x45: {  	_ =	shalt  }
0x46: {  	_ =	shalt  }
0x47: {  	_ =	shalt  }
0x48: {  	_ =	shalt  }
0x49: {  	_ =	shalt  }
0x4a: {  	_ =	shalt  }
0x4b: {  	_ =	shalt  }
0x4c: {  	_ =	shalt  }
0x4d: {  	_ =	shalt  }
0x4e: {  	_ =	shalt  }
0x4f: {  	_ =	shalt  }
0x50: {  	_ =	shalt  }
0x51: {  	_ =	shalt  }
0x52: {  	_ =	shalt  }
0x53: {  	_ =	shalt  }
0x54: {  	_ =	shalt  }
0x55: {  	_ =	shalt  }
0x56: {  	_ =	shalt  }
0x57: {  	_ =	shalt  }
0x58: {  	_ =	shalt  }
0x59: {  	_ =	shalt  }
0x5a: {  	_ =	shalt  }
0x5b: {  	_ =	shalt  }
0x5c: {  	_ =	shalt  }
0x5d: {  	_ =	shalt  }
0x5e: {  	_ =	shalt  }
0x5f: {  	_ =	shalt  }
0x60: {  	_ =	shalt  }
0x61: {  	_ =	shalt  }
0x62: {  	_ =	shalt  }
0x63: {  	_ =	shalt  }
0x64: {  	_ =	shalt  }
0x65: {  	_ =	shalt  }
0x66: {  	_ =	shalt  }
0x67: {  	_ =	shalt  }
0x68: {  	_ =	shalt  }
0x69: {  	_ =	shalt  }
0x6a: {  	_ =	shalt  }
0x6b: {  	_ =	shalt  }
0x6c: {  	_ =	shalt  }
0x6d: {  	_ =	shalt  }
0x6e: {  	_ =	shalt  }
0x6f: {  	_ =	shalt  }
0x70: {  	_ =	shalt  }
0x71: {  	_ =	shalt  }
0x72: {  	_ =	shalt  }
0x73: {  	_ =	shalt  }
0x74: {  	_ =	shalt  }
0x75: {  	_ =	shalt  }
0x76: {  	_ =	shalt  }
0x77: {  	_ =	shalt  }
0x78: {  	_ =	shalt  }
0x79: {  	_ =	shalt  }
0x7a: {  	_ =	shalt  }
0x7b: {  	_ =	shalt  }
0x7c: {  	_ =	shalt  }
0x7d: {  	_ =	shalt  }
0x7e: {  	_ =	shalt  }
0x7f: {  	_ =	shalt  }
0x80: {  	_ =	shalt  }
0x81: {  	_ =	shalt  }
0x82: {  	_ =	shalt  }
0x83: {  	_ =	shalt  }
0x84: {  	_ =	shalt  }
0x85: {  	_ =	shalt  }
0x86: {  	_ =	shalt  }
0x87: {  	_ =	shalt  }
.Lfunc_end0:
.L_simem_size_0:
called_computation_lowered:
.L_overlay_start_0:
0x88: {  	s2 =	sld [smem:$0x3FD9]  }
0x89: {  	s3 =	sld [smem:$0x3FFE];
	_ =	sdelay $0x1  }
0x8a: {  	s1 =	srdreg.scid  }
0x8b: {  	s0 =	sand.u32 $0x1, s1  }
0x8c: {  	s17 =	sshll.u32 s0, $0xA;
	s2 =	sadd.s32 s3, s2  }
0x8d: {  	s2 =	sadd.s32 s2, s17  }
0x8e: {  	[smem:$0x3FC4] =	sst s2  }
0x8f: {  	_ = 	snop  }
0x90: {  	s2 =	sld [smem:$0x3FD0];
	(tm) =	ssettm $0x1  }
0x91: {  	s18 =	sld [smem:$0x3FFB];
	_ =	sdelay $0x3  }
0x92: {  	_ =	strace s18  }
0x93: {  	s3 =	sld [smem:$0x3FFC];
	_ =	sdelay $0x3  }
0x94: {  	_ =	strace s3  }
0x95: {  	s3 =	sld [smem:$0x3FFD];
	_ =	sdelay $0x3  }
0x96: {  	_ =	strace s3  }
0x97: {  	_ =	strace $0x8FFFFFFF  }
0x98: {  	s19 =	sld [smem:$0x3FDB];
	_ =	sdelay $0x1  }
0x99: {  	s4 =	simm.s32 $_scs_section_size  }
0x9a: {  	s5 =	simm.s32 $_size__tile_overlayer_lowered;
	s6 =	simm.s32 $_tile_overlayer_lowered  }
0x9b: {  	s22 =	simm.s32 $0x1BFF;
	s21 =	sshll.u32 s6, $0x1;
	s3 =	sadd.s32 s4, s19  }
0x9c: {  	s7 =	simm.s32 $0x0;
	s20 =	sshll.u32 s5, $0x1;
	s5 =	sadd.s32 s21, s3  }
0x9d: {  	[timem:s7], [sflag:s22] =	dma.local [hbm:s5], s20  }
0x9e: {  	_ =	swait.ge [sflag:s22], s20  }
0x9f: {  	s4 =	ssub.s32 $0x0, s20;
	[sflag:s22] =	ssyncset.done $0x0  }
0xa0: {  	[sflag:s22] =	ssyncadd.s32 s4;
	_ =	sdelay $0x1  }
0xa1: {  	s23 =	simm.s32 $0x1B8B  }
0xa2: {  	_ =	swait.ge [sflag:s23], $0x1  }
0xa3: {  	[sflag:s23] =	ssyncset.done $0x0  }
0xa4: {  	s25 =	simm.s32 $0x1B8E;
	s24 =	sld [smem:$0x3FFE];
	[sflag:s23] =	ssyncadd.s32 $0xFFFFFFFF  }
0xa5: {  	s26 =	simm.s32 $execute0_lowered;
	[smem:$0x3FD2] =	sst s25  }
0xa6: {  	s5 =	sshll.u32 s26, $0x1;
	_ =	strace $0x80000046;
	[dreg:$0x1] =	wrdreg $0xFFFFFFFF  }
0xa7: {  	s28 =	simm.s32 $_size_execute0_lowered;
	s3 =	sadd.s32 s3, s5;
	[dreg:$0x0] =	wrdreg $0x0  }
0xa8: {  	s5 =	sshll.u32 s28, $0x1;
	[dreg:$0x2] =	wrdreg s3  }
0xa9: {  	[dreg:$0x3] =	wrdreg s5  }
0xaa: {  	[dreg:$0x4] =	wrdreg $0xC0  }
0xab: {  	_ =	task [dreg:s7], $0x5FFFF  }
0xac: {  	[dreg:$0x1] =	wrdreg $0xFFFFFFFF  }
0xad: {  	[dreg:$0x0] =	wrdreg $0x60  }
0xae: {  	[dreg:$0x2] =	wrdreg s24  }
0xaf: {  	[dreg:$0x3] =	wrdreg s2  }
0xb0: {  	[dreg:$0x4] =	wrdreg $0x28800  }
0xb1: {  	[dreg:$0x5] =	wrdreg $0x9  }
0xb2: {  	_ =	task.clear_ibuf [dreg:s7], $0x6FFFF;
	_ =	strace $0x90000046  }
0xb3: {  	s29 =	simm.s32 $0x9;
	_ =	strace $0x80000048  }
0xb4: {  	_ =	swait.ge [sflag:s29], $0x1  }
0xb5: {  	[sflag:s29] =	ssyncadd.s32 $0xFFFFFFFF  }
0xb6: {  	_ =	strace $0x90000048  }
0xb7: {  	_ =	sfence  }
0xb8: {  	s30 =	sld [smem:$0x0];
	_ =	sdelay $0x2  }
0xb9: {  	s31 =	sshll.u32 s1, $0xD;
	s1 =	sshrl.u32 s1, $0x2  }
0xba: {  	s3 =	sand.u32 $0x4000, s31;
	s1 =	sadd.s32 s1, s30  }
0xbb: {  	s0 =	sor.u32 s3, s0;
	s1 =	sshll.u32 s1, $0x11  }
0xbc: {  	s0 =	sor.u32 s1, s0  }
0xbd: {  	s0 =	sadd.s32 $0x8F2B, s0  }
0xbe: {  	[sflag:s0] =	ssyncadd.remote.s32 $0x1  }
0xbf: {  	_ =	sfence.sel $0xFFFF  }
0xc0: {  	[dreg:$0x0] =	wrdreg $0xFFFFFFFF;
	(pc) =	sbr.abs _section_cstart, $3  }
0xc1: {  	[dreg:$0x1] =	wrdreg $0xFFFFFFFF  }
0xc2: {  	_ =	task.clear_ibuf [dreg:s7], $0x2FFFF;
	_ =	strace $0x9FFFFFFF  }
0xc3: {  	(tm) =	ssettm $0x7FFFFFFF  }
tec
execute0_lowered:
.L_overlay_start_1:
0x0: {  	(tag) =	ssettag $0x1  }
0x1: {  	s4 =	rddreg [dreg:$0x0]  }
0x2: {  	s7 =	rddreg [dreg:$0x1]  }
0x3: {  	s1 =	srdreg.scid;
	s0 =	stileid.u32  }
0x4: {  	s2 =	rddreg [dreg:$0x2];
	s3 =	simm.s32 $0x0;
	s12 =	simm.s32 $0x2800  }
0x5: {  	s13 =	simm.s32 $0x20;
	s14 =	simm.s32 $0x10;
	s15 =	simm.s32 $0x0  }
0x6: {  	s5 =	sand.u32 $0x1, s1;
	s1 =	rddreg [dreg:$0x3];
	s9 =	smul.u32 $0xA00, s0  }
0x7: {  	s6 =	sshll.u32 s0, $0x1;
	[smem:$0x7FF] =	sst s3;
	s11 =	smul.u32 $0x500, s0  }
0x8: {  	s30 =	sshll.u32 s0, $0x6;
	s6 =	sor.u32 s5, s6;
	_ =	strace $0x80000047  }
0x9: {  	s8 =	ssub.s32 $0x2, s5;
	s5 =	sshll.u32 s5, $0x7;
	s6 =	smul.u32 $0x500, s6  }
0xa: {  	s10 =	sshrl.u32 s8, $0x1;
	s9 =	sshrl.u32 s9, $0x2;
	s11 =	sor.u32 s5, s11  }
0xb: {  	s5 =	sor.u32 $0x1C01, s30;
	s8 =	ssub.s32 s8, s10;
	s9 =	sadd.s32 s9, s2  }
0xc: {  	s31 =	sshrl.u32 s11, $0x3;
	s10 =	simm.s32 $0x1;
	s11 =	simm.s32 $0x80  }
0xd: {  	s6 =	sadd.s32 s6, s4;
	s4 =	sadd.s32 $0xB000, s4;
	s7 =	sadd.s32 s7, s31  }
0xe: {  	v0 =	vimm.f32 $1.000000000e+00;
	s8 =	smax.u32 s8, $0x1;
	s9 =	sshrl.u32 s9, $0x3;
	s6 =	sadd.s32 $0x1000, s6  }
.LBB2_1:
0xf: {  	[spmem:s9], [sflag:s5] =	dma.local [hbm:s4], $0x50  }
0x10: {  	_ =	swait.ge [sflag:s10], $0x50  }
0x11: {  	[sflag:s10] =	ssyncset.done $0x0  }
0x12: {  	[sflag:s10] =	ssyncadd.s32 $0xFFFFFFB0  }
0x13: {  	[tilespmem:$0x2800] =	vst v0  }
0x14: {  	[tilespmem:$0x2810] =	vst v0  }
0x15: {  	[tilespmem:$0x2820] =	vst v0  }
0x16: {  	[tilespmem:$0x2830] =	vst v0  }
0x17: {  	[tilespmem:$0x2840] =	vst v0  }
0x18: {  	[tilespmem:$0x2850] =	vst v0  }
0x19: {  	[tilespmem:$0x2860] =	vst v0  }
0x1a: {  	[tilespmem:$0x2870] =	vst v0  }
0x1b: {  	[tilespmem:s3], [sflag:$0x1] =	stream.linear.gather [hbm4b:s6+s3], $0x2800, $0x38;
	[tilespmem:$0x2B00] =	vst v63  }
0x1c: {  	_ =	swait.ge [sflag:s10], $0x2800  }
0x1d: {  	[sflag:s10] =	ssyncset.done $0x0  }
0x1e: {  	[sflag:s10] =	ssyncadd.s32 $0xFFFFD800  }
0x1f: {  	s16 =	simm.s32 $0x0;
	[bflag:$0x0] =	sbarrier.arrive $0xFFFF  }
0x20: {  	[spmem:s2] =	stream.indirect.scatter.add.f32 [tilespmem:s12], [sflag:$0x1], $0x1, s16, s11, $0xb8;
	[tilespmem:$0x2B00] =	vst v63  }
0x21: {  	_ =	swait.ge [sflag:s10], $0x80  }
0x22: {  	s16 =	simm.s32 $0x200;
	[sflag:s10] =	ssyncset.done $0x0  }
.LBB2_2:
0x23: {  	s17 =	sshra.s32 s16, $0x2;
	[sflag:s10] =	ssyncadd.s32 $0xFFFFFF80;
	p0 =	sne.s32 s16, $0x9E00  }
0x24: {  	[spmem:s2] =	stream.indirect.scatter.add.f32 [tilespmem:s12], [sflag:$0x1], $0x1, s17, s11, $0xb8;
	[tilespmem:$0x2B00] =	vst v63  }
.Ltmp0:
0x25: {  	_ = 	snop;
	(pc) =	sbr.rel @p0 .LBB2_2-.Ltmp0, $4  }
0x26: {  	_ = 	snop  }
0x27: {  	s16 =	sadd.s32 $0x200, s16  }
0x28: {  	_ =	swait.ge [sflag:s10], $0x80  }
0x29: {  	[sflag:s10] =	ssyncset.done $0x0  }
0x2a: {  	s15 =	sadd.s32 $0x1, s15  }
0x2b: {  	[sflag:s10] =	ssyncadd.s32 $0xFFFFFF80;
	p0 =	sne.s32 s15, s8  }
.Ltmp1:
0x2c: {  	[bflag:$0x0] =	sbarrier.arrive $0xFFFF;
	(pc) =	sbr.rel @p0 .LBB2_1-.Ltmp1, $4  }
0x2d: {  	[hbm:s7@s13], [sflag:s5] =	dma.strided [spmem:s9@s14], $0x50, s10, $0x10   }
0x2e: {  	_ =	swait.ge [sflag:s10], $0x50  }
0x2f: {  	[sflag:s10] =	ssyncset.done $0x0  }
0x30: {  	[sflag:s10] =	ssyncadd.s32 $0xFFFFFFB0  }
0x31: {  	_ =	sfence.sel $0x180000  }
0x32: {  	[bflag:$0x0] =	sbarrier.arrive $0xFFFF  }
0x33: {  	p0 =	sne.s32 s0, $0x0;
	_ =	strace $0x90000047  }
0x34: {  	s0 =	sadd.s32 @!p0 $0x100000, s1;
	[bflag:$0x2] =	sbarrier.arrive $0xFFFF  }
0x35: {  	[sflag:s0] =	ssyncadd.tile.s32 @!p0 $0x1;
	_ =	shalt  }
.Lfunc_end2:
_tile_overlayer_lowered:
.L_overlay_start_2:
0x36: {  	(tag) =	ssettag $0x2  }
0x37: {  	s0 =	rddreg [dreg:$0x0];
	s2 =	stileid.u32  }
0x38: {  	s1 =	rddreg [dreg:$0x1];
	p0 =	sne.s32 s2, $0x0  }
0x39: {  	s3 =	rddreg [dreg:$0x2];
	[bflag:$0x3] =	sbarrier.arrive $0xFFFF;
	s2 =	simm.s32 @!p0 $0x1C01  }
0x3a: {  	[timem:s3], [sflag:s2] =	dma.local @!p0 [hbm:s0], s1  }
0x3b: {  	s0 =	simm.s32 @!p0 $0x1  }
0x3c: {  	_ =	swait.ge @!p0 [sflag:s0], s1  }
0x3d: {  	s1 =	ssub.s32 @!p0 $0x0, s1;
	[sflag:s0] =	ssyncset.done @!p0 $0x0  }
0x3e: {  	[sflag:s0] =	ssyncadd.s32 @!p0 s1  }
0x3f: {  	[bflag:$0x3] =	sbarrier.arrive $0xFFFF  }
0x40: {  	_ =	shalt  }

// kernel: kernel.9.cloned.1.call-start
scs
__scs_entry_jumppad:
0x0: {  	(pc) =	sbr.rel $0x88, $3  }
0x1: {  	(tag) =	ssettag $0x0;
	lr =	simm.s32 $0x1  }
0x2: {  	[smem:$0x3F9D] =	sst lr;
	_ =	strace $0xD0000000  }
0x3: {  	_ = 	snop  }
0x4: {  	_ = 	snop  }
0x5: {  	_ = 	snop  }
0x6: {  	_ = 	snop  }
0x7: {  	_ = 	snop  }
__scs_overlays_trampoline_lowered:
0x8: {  	[smem:$0x3FAC] =	sst s0  }
0x9: {  	[smem:$0x3FAD] =	sst s1  }
0xa: {  	[smem:$0x3FAE] =	sst s2  }
0xb: {  	[smem:$0x3FAF] =	sst s3  }
0xc: {  	[smem:$0x3FB0] =	sst s4  }
0xd: {  	[smem:$0x3FB1] =	sst s5  }
0xe: {  	[smem:$0x3FB2] =	sst s6  }
0xf: {  	[smem:$0x3FB3] =	sst s7  }
0x10: {  	[smem:$0x3FB4] =	sst s8  }
0x11: {  	[smem:$0x3FB5] =	sst s9;
	s0 =	simm.s32 @!p0 $0x0  }
0x12: {  	s1 =	sld [smem:$0x3F9B];
	s0 =	simm.s32 @p0 $0x1  }
0x13: {  	[smem:$0x3FB6] =	sst s0;
	s0 =	simm.s32 @!p1 $0x0  }
0x14: {  	s2 =	sld [smem:$0x3F9A];
	s0 =	simm.s32 @p1 $0x1  }
0x15: {  	[smem:$0x3FB7] =	sst s0;
	s0 =	simm.s32 @!p2 $0x0  }
0x16: {  	s3 =	sld [smem:$0x3FDB];
	s0 =	simm.s32 @p2 $0x1  }
0x17: {  	s4 =	simm.s32 $0x1BF5;
	[smem:$0x3FB9] =	sst s0  }
0x18: {  	s0 =	sld [smem:$0x3F9C];
	_ =	swait.ge [sflag:s4], $0x0  }
0x19: {  	s7 =	sld [smem:$0x3F9D]  }
0x1a: {  	s8 =	sadd.s32 $0xFFFFE003, lr  }
0x1b: {  	s9 =	sadd.s32 $0xFFFFFEF7, lr;
	s5 =	simm.s32 $0xFFFFFFFF;
	p2 =	slt.u32 s8, $0xFFFFF086  }
0x1c: {  	p1 =	slt.u32 s9, $0xF7A;
	s5 =	simm.s32 @!p2 $0x0  }
0x1d: {  	s5 =	simm.s32 @p1 $0x1;
	p0 =	seq.s32 s7, s2  }
0x1e: {  	s7 =	smul.u32 @!p0 $0xF7A, s2;
	p2 =	seq.s32 @!p0 s5, $0x0  }
0x1f: {  	s9 =	smul.u32 $0xF7A, s1;
	s8 =	simm.s32 @!p0 $0x1BF5;
	p2 =	por !p2, p0  }
0x20: {  	[sflag:s8] =	ssyncset.s32 @!p0 $0xFFFFF086;
	s6 =	sadd.s32 @!p0 s3, s7;
	s7 =	simm.s32 @!p0 $0x108  }
0x21: {  	s3 =	sadd.s32 s3, s9;
	s6 =	sadd.s32 @!p0 $0x88, s6;
	s7 =	simm.s32 @p2 $0x1082  }
0x22: {  	[simem:s7], [sflag:s8] =	dma.local @!p0 [hbm:s6], $0xF7A  }
0x23: {  	s9 =	sor.u32 $0xD0000000, s2;
	s6 =	simm.s32 $0x108;
	_ =	swait.ge @!p0 [sflag:s8], $0x0  }
0x24: {  	s3 =	sadd.s32 $0x88, s3;
	s6 =	simm.s32 @!p1 $0x1082;
	[sflag:s4] =	ssyncset.s32 $0xFFFFF086  }
0x25: {  	[simem:s6], [sflag:s4] =	dma.local [hbm:s3], $0xF7A  }
0x26: {  	[smem:$0x3F9D] =	sst s1;
	(tag) =	ssettag s2;
	_ =	strace s9  }
0x27: {  	s1 =	sld [smem:$0x3FAD]  }
0x28: {  	s2 =	sld [smem:$0x3FAE]  }
0x29: {  	s4 =	sld [smem:$0x3FB0]  }
0x2a: {  	p0 =	seq.s32 s5, $0x0;
	s5 =	sld [smem:$0x3FB1]  }
0x2b: {  	s6 =	sld [smem:$0x3FB2]  }
0x2c: {  	s7 =	sld [smem:$0x3FB3]  }
0x2d: {  	s3 =	simm.s32 $0x108;
	s8 =	sld [smem:$0x3FB4]  }
0x2e: {  	s3 =	simm.s32 @!p0 $0x1082;
	s9 =	sld [smem:$0x3FB5]  }
0x2f: {  	lr =	sadd.s32 s0, s3;
	s0 =	sld [smem:$0x3FAC]  }
0x30: {  	s3 =	sld [smem:$0x3FAF]  }
0x31: {  	[smem:$0x3FB8] =	sst s10  }
0x32: {  	s10 =	sld [smem:$0x3FB6];
	_ =	sdelay $0x3  }
0x33: {  	p0 =	seq.s32 s10, $0x1;
	s10 =	sld [smem:$0x3FB8];
	_ =	sdelay $0x3  }
0x34: {  	[smem:$0x3FB8] =	sst s10  }
0x35: {  	s10 =	sld [smem:$0x3FB7];
	_ =	sdelay $0x3  }
0x36: {  	p1 =	seq.s32 s10, $0x1;
	s10 =	sld [smem:$0x3FB8];
	_ =	sdelay $0x3  }
0x37: {  	[smem:$0x3FB8] =	sst s10  }
0x38: {  	s10 =	sld [smem:$0x3FB9]  }
0x39: {  	_ = 	snop;
	(pc) =	sbr.ind lr, $3  }
0x3a: {  	_ = 	snop  }
0x3b: {  	_ = 	snop  }
0x3c: {  	p2 =	seq.s32 s10, $0x1;
	s10 =	sld [smem:$0x3FB8]  }
0x3d: {  	_ =	shalt  }
0x3e: {  	_ =	shalt  }
0x3f: {  	_ =	shalt  }
0x40: {  	_ =	shalt  }
0x41: {  	_ =	shalt  }
0x42: {  	_ =	shalt  }
0x43: {  	_ =	shalt  }
0x44: {  	_ =	shalt  }
0x45: {  	_ =	shalt  }
0x46: {  	_ =	shalt  }
0x47: {  	_ =	shalt  }
0x48: {  	_ =	shalt  }
0x49: {  	_ =	shalt  }
0x4a: {  	_ =	shalt  }
0x4b: {  	_ =	shalt  }
0x4c: {  	_ =	shalt  }
0x4d: {  	_ =	shalt  }
0x4e: {  	_ =	shalt  }
0x4f: {  	_ =	shalt  }
0x50: {  	_ =	shalt  }
0x51: {  	_ =	shalt  }
0x52: {  	_ =	shalt  }
0x53: {  	_ =	shalt  }
0x54: {  	_ =	shalt  }
0x55: {  	_ =	shalt  }
0x56: {  	_ =	shalt  }
0x57: {  	_ =	shalt  }
0x58: {  	_ =	shalt  }
0x59: {  	_ =	shalt  }
0x5a: {  	_ =	shalt  }
0x5b: {  	_ =	shalt  }
0x5c: {  	_ =	shalt  }
0x5d: {  	_ =	shalt  }
0x5e: {  	_ =	shalt  }
0x5f: {  	_ =	shalt  }
0x60: {  	_ =	shalt  }
0x61: {  	_ =	shalt  }
0x62: {  	_ =	shalt  }
0x63: {  	_ =	shalt  }
0x64: {  	_ =	shalt  }
0x65: {  	_ =	shalt  }
0x66: {  	_ =	shalt  }
0x67: {  	_ =	shalt  }
0x68: {  	_ =	shalt  }
0x69: {  	_ =	shalt  }
0x6a: {  	_ =	shalt  }
0x6b: {  	_ =	shalt  }
0x6c: {  	_ =	shalt  }
0x6d: {  	_ =	shalt  }
0x6e: {  	_ =	shalt  }
0x6f: {  	_ =	shalt  }
0x70: {  	_ =	shalt  }
0x71: {  	_ =	shalt  }
0x72: {  	_ =	shalt  }
0x73: {  	_ =	shalt  }
0x74: {  	_ =	shalt  }
0x75: {  	_ =	shalt  }
0x76: {  	_ =	shalt  }
0x77: {  	_ =	shalt  }
0x78: {  	_ =	shalt  }
0x79: {  	_ =	shalt  }
0x7a: {  	_ =	shalt  }
0x7b: {  	_ =	shalt  }
0x7c: {  	_ =	shalt  }
0x7d: {  	_ =	shalt  }
0x7e: {  	_ =	shalt  }
0x7f: {  	_ =	shalt  }
0x80: {  	_ =	shalt  }
0x81: {  	_ =	shalt  }
0x82: {  	_ =	shalt  }
0x83: {  	_ =	shalt  }
0x84: {  	_ =	shalt  }
0x85: {  	_ =	shalt  }
0x86: {  	_ =	shalt  }
0x87: {  	_ =	shalt  }
.Lfunc_end0:
.L_simem_size_0:
called_computation.1_lowered:
.L_overlay_start_0:
0x88: {  	s2 =	sld [smem:$0x3FD9]  }
0x89: {  	s3 =	sld [smem:$0x3FFE];
	_ =	sdelay $0x1  }
0x8a: {  	s1 =	srdreg.scid  }
0x8b: {  	s0 =	sand.u32 $0x1, s1  }
0x8c: {  	s17 =	sshll.u32 s0, $0xA;
	s2 =	sadd.s32 s3, s2  }
0x8d: {  	s2 =	sadd.s32 s2, s17  }
0x8e: {  	[smem:$0x3FC4] =	sst s2  }
0x8f: {  	_ = 	snop  }
0x90: {  	s2 =	sld [smem:$0x3FD0];
	(tm) =	ssettm $0x1  }
0x91: {  	s18 =	sld [smem:$0x3FFB];
	_ =	sdelay $0x3  }
0x92: {  	_ =	strace s18  }
0x93: {  	s3 =	sld [smem:$0x3FFC];
	_ =	sdelay $0x3  }
0x94: {  	_ =	strace s3  }
0x95: {  	s3 =	sld [smem:$0x3FFD];
	_ =	sdelay $0x3  }
0x96: {  	_ =	strace s3  }
0x97: {  	_ =	strace $0x8FFFFFFF  }
0x98: {  	s19 =	sld [smem:$0x3FDB];
	_ =	sdelay $0x1  }
0x99: {  	s4 =	simm.s32 $_scs_section_size  }
0x9a: {  	s5 =	simm.s32 $_size__tile_overlayer_lowered;
	s6 =	simm.s32 $_tile_overlayer_lowered  }
0x9b: {  	s22 =	simm.s32 $0x1BFF;
	s21 =	sshll.u32 s6, $0x1;
	s3 =	sadd.s32 s4, s19  }
0x9c: {  	s7 =	simm.s32 $0x0;
	s20 =	sshll.u32 s5, $0x1;
	s5 =	sadd.s32 s21, s3  }
0x9d: {  	[timem:s7], [sflag:s22] =	dma.local [hbm:s5], s20  }
0x9e: {  	_ =	swait.ge [sflag:s22], s20  }
0x9f: {  	s4 =	ssub.s32 $0x0, s20;
	[sflag:s22] =	ssyncset.done $0x0  }
0xa0: {  	[sflag:s22] =	ssyncadd.s32 s4;
	_ =	sdelay $0x1  }
0xa1: {  	s23 =	simm.s32 $0x1B8B  }
0xa2: {  	_ =	swait.ge [sflag:s23], $0x1  }
0xa3: {  	[sflag:s23] =	ssyncset.done $0x0  }
0xa4: {  	s25 =	simm.s32 $0x1B8E;
	s24 =	sld [smem:$0x3FFE];
	[sflag:s23] =	ssyncadd.s32 $0xFFFFFFFF  }
0xa5: {  	s26 =	simm.s32 $execute0_lowered;
	[smem:$0x3FD2] =	sst s25  }
0xa6: {  	s5 =	sshll.u32 s26, $0x1;
	_ =	strace $0x80000049;
	[dreg:$0x1] =	wrdreg $0xFFFFFFFF  }
0xa7: {  	s28 =	simm.s32 $_size_execute0_lowered;
	s3 =	sadd.s32 s3, s5;
	[dreg:$0x0] =	wrdreg $0x0  }
0xa8: {  	s5 =	sshll.u32 s28, $0x1;
	[dreg:$0x2] =	wrdreg s3  }
0xa9: {  	[dreg:$0x3] =	wrdreg s5  }
0xaa: {  	[dreg:$0x4] =	wrdreg $0xC0  }
0xab: {  	_ =	task [dreg:s7], $0x5FFFF  }
0xac: {  	[dreg:$0x1] =	wrdreg $0xFFFFFFFF  }
0xad: {  	[dreg:$0x0] =	wrdreg $0x60  }
0xae: {  	[dreg:$0x2] =	wrdreg s2  }
0xaf: {  	[dreg:$0x3] =	wrdreg s24  }
0xb0: {  	[dreg:$0x4] =	wrdreg $0x140000  }
0xb1: {  	[dreg:$0x5] =	wrdreg $0x9  }
0xb2: {  	_ =	task.clear_ibuf [dreg:s7], $0x6FFFF;
	_ =	strace $0x90000049  }
0xb3: {  	s29 =	simm.s32 $0x9;
	_ =	strace $0x8000004B  }
0xb4: {  	_ =	swait.ge [sflag:s29], $0x1  }
0xb5: {  	[sflag:s29] =	ssyncadd.s32 $0xFFFFFFFF  }
0xb6: {  	_ =	strace $0x9000004B  }
0xb7: {  	_ =	sfence  }
0xb8: {  	s30 =	sld [smem:$0x0];
	_ =	sdelay $0x2  }
0xb9: {  	s31 =	sshll.u32 s1, $0xD;
	s1 =	sshrl.u32 s1, $0x2  }
0xba: {  	s3 =	sand.u32 $0x4000, s31;
	s1 =	sadd.s32 s1, s30  }
0xbb: {  	s0 =	sor.u32 s3, s0;
	s1 =	sshll.u32 s1, $0x11  }
0xbc: {  	s0 =	sor.u32 s1, s0  }
0xbd: {  	s0 =	sadd.s32 $0x8F2B, s0  }
0xbe: {  	[sflag:s0] =	ssyncadd.remote.s32 $0x1  }
0xbf: {  	_ =	sfence.sel $0xFFFF  }
0xc0: {  	[dreg:$0x0] =	wrdreg $0xFFFFFFFF;
	(pc) =	sbr.abs _section_cstart, $3  }
0xc1: {  	[dreg:$0x1] =	wrdreg $0xFFFFFFFF  }
0xc2: {  	_ =	task.clear_ibuf [dreg:s7], $0x2FFFF;
	_ =	strace $0x9FFFFFFF  }
0xc3: {  	(tm) =	ssettm $0x7FFFFFFF  }
tec
execute0_lowered:
.L_overlay_start_1:
0x0: {  	(tag) =	ssettag $0x1  }
0x1: {  	s1 =	rddreg [dreg:$0x0]  }
0x2: {  	s0 =	srdreg.scid;
	s2 =	rddreg [dreg:$0x1]  }
0x3: {  	s11 =	stileid.u32;
	s3 =	rddreg [dreg:$0x2];
	s4 =	simm.s32 $0x0  }
0x4: {  	s12 =	simm.s32 $0xB;
	s13 =	simm.s32 $0x5000;
	s14 =	simm.s32 $0x80  }
0x5: {  	s15 =	simm.s32 $0xA000;
	s16 =	simm.s32 $0xC000;
	s18 =	simm.s32 $0xE000  }
0x6: {  	s19 =	simm.s32 $0x1;
	s29 =	simm.s32 $0x6;
	s31 =	simm.s32 $0x4  }
0x7: {  	s20 =	simm.s32 $0x5;
	s30 =	simm.s32 $0x9;
	s5 =	smul.u32 $0x5000, s11  }
0x8: {  	s17 =	simm.s32 $0x0;
	s0 =	sand.u32 $0x1, s0;
	s7 =	smul.u32 $0xA000, s11  }
0x9: {  	[smem:$0x7FF] =	sst s4;
	s22 =	sadd.s32 $0x1F200, s2;
	s6 =	smul.u32 $0x50000, s0  }
0xa: {  	s24 =	sshll.u32 s11, $0x6;
	s8 =	smul.u32 $0xA0000, s0;
	_ =	strace $0x8000004A  }
0xb: {  	s0 =	ssub.s32 $0x2, s0;
	[dreg:$0x4] =	wrdreg s22;
	s22 =	simm.s32 $0x2  }
0xc: {  	s23 =	sshrl.u32 s0, $0x1;
	s25 =	sadd.s32 s7, s3;
	s6 =	sadd.s32 s5, s6  }
0xd: {  	s5 =	sshrl.u32 s5, $0x3;
	s21 =	sadd.s32 s7, s8;
	s0 =	ssub.s32 s0, s23  }
0xe: {  	s11 =	sshrl.u32 s25, $0x3;
	s25 =	simm.s32 $0x12000;
	s6 =	sshrl.u32 s6, $0x3  }
0xf: {  	s10 =	sadd.s32 s5, s2;
	s9 =	sadd.s32 s6, s2;
	s6 =	sshrl.u32 s21, $0x3  }
.Ltmp0:
0x10: {  	s28 =	sadd.s32 $0x1000, s10;
	s10 =	smax.u32 s0, $0x1;
	(pc) =	sbr.rel .LBB2_1-.Ltmp0, $4  }
0x11: {  	s21 =	simm.s32 $0x10000;
	s0 =	simm.s32 $0x7;
	s2 =	sadd.s32 s6, s2  }
0x12: {  	s6 =	sor.u32 $0x1C0B, s24;
	s26 =	sadd.s32 $0xB200, s9;
	[dreg:$0x6] =	wrdreg s28  }
0x13: {  	s24 =	simm.s32 $0x8;
	[dreg:$0x5] =	wrdreg s26;
	s2 =	sadd.s32 $0x20600, s2  }
0x14: {  	s26 =	simm.s32 $0x3;
	[dreg:$0x7] =	wrdreg s2;
	s2 =	simm.s32 $0xA  }
.LBB2_4:
0x15: {  	_ =	swait.ge [sflag:s29], $0x2000  }
0x16: {  	[sflag:s29] =	ssyncset.done $0x0  }
0x17: {  	[sflag:s29] =	ssyncadd.s32 $0xFFFFE000  }
0x18: {  	_ =	swait.ge [sflag:s0], $0x2000  }
0x19: {  	[sflag:s0] =	ssyncset.done $0x0  }
0x1a: {  	[sflag:s0] =	ssyncadd.s32 $0xFFFFE000  }
0x1b: {  	_ =	swait.ge [sflag:s24], $0x2000  }
0x1c: {  	[sflag:s24] =	ssyncset.done $0x0  }
0x1d: {  	[sflag:s24] =	ssyncadd.s32 $0xFFFFE000  }
0x1e: {  	_ =	swait.ge [sflag:s30], $0x2000  }
0x1f: {  	[sflag:s30] =	ssyncset.done $0x0  }
0x20: {  	[sflag:s30] =	ssyncadd.s32 $0xFFFFE000  }
0x21: {  	_ =	swait.ge [sflag:s2], $0x2000  }
0x22: {  	[sflag:s2] =	ssyncset.done $0x0  }
0x23: {  	s17 =	sadd.s32 $0x1, s17;
	[sflag:s2] =	ssyncadd.s32 $0xFFFFE000  }
0x24: {  	p0 =	sne.s32 s17, s10;
	[bflag:$0x0] =	sbarrier.arrive $0xFFFF  }
.Ltmp1:
0x25: {  	s5 =	rddreg [dreg:$0x7];
	(pc) =	sbr.rel @!p0 .LBB2_5-.Ltmp1, $4  }
0x26: {  	[hbm:s5], [sflag:s6] =	dma.local [spmem:s11], $0x1400  }
0x27: {  	_ =	swait.ge [sflag:s12], $0x1400  }
0x28: {  	[sflag:s12] =	ssyncset.done $0x0  }
0x29: {  	[sflag:s12] =	ssyncadd.s32 $0xFFFFEC00  }
.LBB2_1:
0x2a: {  	s5 =	rddreg [dreg:$0x4]  }
0x2b: {  	[spmem:s11], [sflag:s6] =	dma.local [hbm:s5], $0x1400  }
0x2c: {  	_ =	swait.ge [sflag:s12], $0x1400  }
0x2d: {  	[sflag:s12] =	ssyncset.done $0x0  }
0x2e: {  	s23 =	rddreg [dreg:$0x5];
	[sflag:s12] =	ssyncadd.s32 $0xFFFFEC00  }
0x2f: {  	[tilespmem:s4], [sflag:$0xB] =	stream.linear.gather [hbm4b:s23+s4], $0x5000, $0x38;
	[tilespmem:$0x1E000] =	vst v63  }
0x30: {  	_ =	swait.ge [sflag:s12], $0x5000  }
0x31: {  	[sflag:s12] =	ssyncset.done $0x0  }
0x32: {  	s28 =	rddreg [dreg:$0x6];
	[sflag:s12] =	ssyncadd.s32 $0xFFFFB000  }
0x33: {  	[tilespmem:s13], [sflag:$0xB] =	stream.linear.gather [hbm4b:s28+s4], $0x5000, $0x38;
	[tilespmem:$0x1E000] =	vst v63  }
0x34: {  	_ =	swait.ge [sflag:s12], $0x5000  }
0x35: {  	[sflag:s12] =	ssyncset.done $0x0  }
0x36: {  	[sflag:s12] =	ssyncadd.s32 $0xFFFFB000  }
0x37: {  	[bflag:$0x0] =	sbarrier.arrive $0xFFFF  }
0x38: {  	[tilespmem:s15], [sflag:$0x1] =	stream.indirect.gather [hbm4b:s1+s14], $0x40, s4, s14, $0xb8;
	[tilespmem:$0x1E000] =	vst v63  }
0x39: {  	_ = 	snop  }
0x3a: {  	[tilespmem:s16], [sflag:$0x2] =	stream.indirect.gather [hbm4b:s1+s14], $0x40, s14, s14, $0xb8;
	[tilespmem:$0x1E000] =	vst v63  }
0x3b: {  	s7 =	simm.s32 $0x100  }
0x3c: {  	[tilespmem:s18], [sflag:$0x3] =	stream.indirect.gather [hbm4b:s1+s14], $0x40, s7, s14, $0xb8;
	[tilespmem:$0x1E000] =	vst v63  }
0x3d: {  	_ =	swait.ge [sflag:s19], $0x2000  }
0x3e: {  	[sflag:s19] =	ssyncset.done $0x0  }
0x3f: {  	[sflag:s19] =	ssyncadd.s32 $0xFFFFE000  }
0x40: {  	[spmem:s3] =	stream.indirect.scatter.add.f32 [tilespmem:s15], [sflag:$0x6], $0x40, s13, s14, $0xb8;
	[tilespmem:$0x1E000] =	vst v63  }
0x41: {  	s8 =	simm.s32 $0x180  }
0x42: {  	[tilespmem:s21], [sflag:$0x4] =	stream.indirect.gather [hbm4b:s1+s14], $0x40, s8, s14, $0xb8;
	[tilespmem:$0x1E000] =	vst v63  }
0x43: {  	_ =	swait.ge [sflag:s22], $0x2000  }
0x44: {  	[sflag:s22] =	ssyncset.done $0x0  }
0x45: {  	s9 =	simm.s32 $0x5080;
	[sflag:s22] =	ssyncadd.s32 $0xFFFFE000  }
0x46: {  	[spmem:s3] =	stream.indirect.scatter.add.f32 [tilespmem:s16], [sflag:$0x7], $0x40, s9, s14, $0xb8;
	[tilespmem:$0x1E000] =	vst v63  }
0x47: {  	s23 =	simm.s32 $0x200  }
0x48: {  	[tilespmem:s25], [sflag:$0x5] =	stream.indirect.gather [hbm4b:s1+s14], $0x40, s23, s14, $0xb8;
	[tilespmem:$0x1E000] =	vst v63  }
0x49: {  	_ =	swait.ge [sflag:s26], $0x2000  }
0x4a: {  	[sflag:s26] =	ssyncset.done $0x0  }
0x4b: {  	s28 =	simm.s32 $0x5100;
	[sflag:s26] =	ssyncadd.s32 $0xFFFFE000  }
0x4c: {  	[spmem:s3] =	stream.indirect.scatter.add.f32 [tilespmem:s18], [sflag:$0x8], $0x40, s28, s14, $0xb8;
	[tilespmem:$0x1E000] =	vst v63  }
0x4d: {  	_ =	swait.ge [sflag:s29], $0x2000  }
0x4e: {  	[sflag:s29] =	ssyncset.done $0x0  }
0x4f: {  	s7 =	simm.s32 $0x280;
	[sflag:s29] =	ssyncadd.s32 $0xFFFFE000  }
0x50: {  	[tilespmem:s15], [sflag:$0x1] =	stream.indirect.gather [hbm4b:s1+s14], $0x40, s7, s14, $0xb8;
	[tilespmem:$0x1E000] =	vst v63  }
0x51: {  	_ =	swait.ge [sflag:s31], $0x2000  }
0x52: {  	[sflag:s31] =	ssyncset.done $0x0  }
0x53: {  	s8 =	simm.s32 $0x5180;
	[sflag:s31] =	ssyncadd.s32 $0xFFFFE000  }
0x54: {  	[spmem:s3] =	stream.indirect.scatter.add.f32 [tilespmem:s21], [sflag:$0x9], $0x40, s8, s14, $0xb8;
	[tilespmem:$0x1E000] =	vst v63  }
0x55: {  	_ =	swait.ge [sflag:s0], $0x2000  }
0x56: {  	[sflag:s0] =	ssyncset.done $0x0  }
0x57: {  	s9 =	simm.s32 $0x300;
	[sflag:s0] =	ssyncadd.s32 $0xFFFFE000  }
0x58: {  	[tilespmem:s16], [sflag:$0x2] =	stream.indirect.gather [hbm4b:s1+s14], $0x40, s9, s14, $0xb8;
	[tilespmem:$0x1E000] =	vst v63  }
0x59: {  	_ =	swait.ge [sflag:s20], $0x2000  }
0x5a: {  	[sflag:s20] =	ssyncset.done $0x0  }
0x5b: {  	s23 =	simm.s32 $0x5200;
	[sflag:s20] =	ssyncadd.s32 $0xFFFFE000  }
0x5c: {  	[spmem:s3] =	stream.indirect.scatter.add.f32 [tilespmem:s25], [sflag:$0xA], $0x40, s23, s14, $0xb8;
	[tilespmem:$0x1E000] =	vst v63  }
0x5d: {  	_ =	swait.ge [sflag:s24], $0x2000  }
0x5e: {  	[sflag:s24] =	ssyncset.done $0x0  }
0x5f: {  	s28 =	simm.s32 $0x380;
	s23 =	simm.s32 $0x0;
	[sflag:s24] =	ssyncadd.s32 $0xFFFFE000  }
0x60: {  	[tilespmem:s18], [sflag:$0x3] =	stream.indirect.gather [hbm4b:s1+s14], $0x40, s28, s14, $0xb8;
	[tilespmem:$0x1E000] =	vst v63  }
.LBB2_2:
0x61: {  	_ =	swait.ge [sflag:s19], $0x2000  }
0x62: {  	s28 =	sshra.s32 s23, $0x2;
	[sflag:s19] =	ssyncset.done $0x0  }
0x63: {  	s5 =	sadd.s32 $0x5280, s28;
	[sflag:s19] =	ssyncadd.s32 $0xFFFFE000  }
0x64: {  	[spmem:s3] =	stream.indirect.scatter.add.f32 [tilespmem:s15], [sflag:$0x6], $0x40, s5, s14, $0xb8;
	[tilespmem:$0x1E000] =	vst v63  }
0x65: {  	_ =	swait.ge [sflag:s30], $0x2000  }
0x66: {  	[sflag:s30] =	ssyncset.done $0x0  }
0x67: {  	s8 =	sadd.s32 $0x400, s28;
	[sflag:s30] =	ssyncadd.s32 $0xFFFFE000  }
0x68: {  	[tilespmem:s21], [sflag:$0x4] =	stream.indirect.gather [hbm4b:s1+s14], $0x40, s8, s14, $0xb8;
	[tilespmem:$0x1E000] =	vst v63  }
0x69: {  	_ =	swait.ge [sflag:s22], $0x2000  }
0x6a: {  	[sflag:s22] =	ssyncset.done $0x0  }
0x6b: {  	s9 =	sadd.s32 $0x5300, s28;
	[sflag:s22] =	ssyncadd.s32 $0xFFFFE000  }
0x6c: {  	[spmem:s3] =	stream.indirect.scatter.add.f32 [tilespmem:s16], [sflag:$0x7], $0x40, s9, s14, $0xb8;
	[tilespmem:$0x1E000] =	vst v63  }
0x6d: {  	_ =	swait.ge [sflag:s2], $0x2000  }
0x6e: {  	[sflag:s2] =	ssyncset.done $0x0  }
0x6f: {  	s7 =	sadd.s32 $0x480, s28;
	[sflag:s2] =	ssyncadd.s32 $0xFFFFE000  }
0x70: {  	[tilespmem:s25], [sflag:$0x5] =	stream.indirect.gather [hbm4b:s1+s14], $0x40, s7, s14, $0xb8;
	[tilespmem:$0x1E000] =	vst v63  }
0x71: {  	_ =	swait.ge [sflag:s26], $0x2000  }
0x72: {  	p0 =	seq.s32 s23, $0x12C00;
	[sflag:s26] =	ssyncset.done $0x0  }
0x73: {  	s5 =	simm.s32 @p0 $0x4;
	s8 =	sadd.s32 $0x5380, s28;
	[sflag:s26] =	ssyncadd.s32 $0xFFFFE000  }
0x74: {  	[spmem:s3] =	stream.indirect.scatter.add.f32 [tilespmem:s18], [sflag:$0x8], $0x40, s8, s14, $0xb8;
	[tilespmem:$0x1E000] =	vst v63  }
0x75: {  	_ =	swait.ge @p0 [sflag:s5], $0x2000  }
0x76: {  	[sflag:s5] =	ssyncset.done @p0 $0x0  }
0x77: {  	[sflag:s5] =	ssyncadd.s32 @p0 $0xFFFFE000;
	s5 =	sshra.s32 @p0 s23, $0x2  }
0x78: {  	s7 =	simm.s32 @p0 $0x80;
	s8 =	simm.s32 @p0 $0x10000;
	s5 =	sadd.s32 @p0 $0x5400, s5  }
0x79: {  	[spmem:s3] =	stream.indirect.scatter.add.f32 @p0 [tilespmem:s8], [sflag:$0x9], $0x40, s5, s7, $0xb8;
	[tilespmem:$0x1E000] =	vst v63  }
0x7a: {  	s5 =	simm.s32 @!p0 $0x6  }
0x7b: {  	_ =	swait.ge @!p0 [sflag:s5], $0x2000  }
0x7c: {  	[sflag:s5] =	ssyncset.done @!p0 $0x0  }
0x7d: {  	[sflag:s5] =	ssyncadd.s32 @!p0 $0xFFFFE000;
	s5 =	sshra.s32 @!p0 s23, $0x2  }
0x7e: {  	s9 =	simm.s32 @!p0 $0xA000;
	s8 =	simm.s32 @!p0 $0x80;
	s7 =	sadd.s32 @!p0 $0x500, s5  }
0x7f: {  	[tilespmem:s9], [sflag:$0x1] =	stream.indirect.gather @!p0 [hbm4b:s1+s8], $0x40, s7, s8, $0xb8;
	[tilespmem:$0x1E000] =	vst v63  }
0x80: {  	s7 =	simm.s32 @!p0 $0x4  }
0x81: {  	_ =	swait.ge @!p0 [sflag:s7], $0x2000  }
0x82: {  	[sflag:s7] =	ssyncset.done @!p0 $0x0  }
0x83: {  	s9 =	simm.s32 @!p0 $0x10000;
	[sflag:s7] =	ssyncadd.s32 @!p0 $0xFFFFE000;
	s7 =	sadd.s32 @!p0 $0x5400, s5  }
0x84: {  	[spmem:s3] =	stream.indirect.scatter.add.f32 @!p0 [tilespmem:s9], [sflag:$0x9], $0x40, s7, s8, $0xb8;
	[tilespmem:$0x1E000] =	vst v63  }
0x85: {  	s7 =	simm.s32 @!p0 $0x7  }
0x86: {  	_ =	swait.ge @!p0 [sflag:s7], $0x2000  }
0x87: {  	[sflag:s7] =	ssyncset.done @!p0 $0x0  }
0x88: {  	s5 =	sadd.s32 @!p0 $0x580, s5;
	[sflag:s7] =	ssyncadd.s32 @!p0 $0xFFFFE000;
	s7 =	simm.s32 @!p0 $0xC000  }
0x89: {  	[tilespmem:s7], [sflag:$0x2] =	stream.indirect.gather @!p0 [hbm4b:s1+s8], $0x40, s5, s8, $0xb8;
	[tilespmem:$0x1E000] =	vst v63  }
.Ltmp2:
0x8a: {  	_ = 	snop;
	(pc) =	sbr.rel @p0 .LBB2_4-.Ltmp2, $4  }
0x8b: {  	_ =	swait.ge [sflag:s20], $0x2000  }
0x8c: {  	[sflag:s20] =	ssyncset.done $0x0  }
0x8d: {  	s9 =	sadd.s32 $0x5480, s28;
	[sflag:s20] =	ssyncadd.s32 $0xFFFFE000  }
0x8e: {  	[spmem:s3] =	stream.indirect.scatter.add.f32 [tilespmem:s25], [sflag:$0xA], $0x40, s9, s14, $0xb8;
	[tilespmem:$0x1E000] =	vst v63  }
.Ltmp3:
0x8f: {  	(pc) =	sbr.rel .LBB2_2-.Ltmp3, $4  }
0x90: {  	_ =	swait.ge [sflag:s24], $0x2000  }
0x91: {  	[sflag:s24] =	ssyncset.done $0x0  }
0x92: {  	s5 =	sadd.s32 $0x600, s28;
	s23 =	sadd.s32 $0xA00, s23;
	[sflag:s24] =	ssyncadd.s32 $0xFFFFE000  }
0x93: {  	[tilespmem:s18], [sflag:$0x3] =	stream.indirect.gather [hbm4b:s1+s14], $0x40, s5, s14, $0xb8;
	[tilespmem:$0x1E000] =	vst v63  }
.LBB2_5:
0x94: {  	_ =	sfence.sel $0x180000  }
0x95: {  	[bflag:$0x0] =	sbarrier.arrive $0xFFFF  }
0x96: {  	_ =	strace $0x9000004A  }
0x97: {  	s0 =	stileid.u32;
	[bflag:$0x2] =	sbarrier.arrive $0xFFFF  }
0x98: {  	p0 =	sne.s32 s0, $0x0;
	s0 =	rddreg [dreg:$0x3]  }
0x99: {  	s0 =	sadd.s32 @!p0 $0x100000, s0  }
0x9a: {  	[sflag:s0] =	ssyncadd.tile.s32 @!p0 $0x1;
	_ =	shalt  }
.Lfunc_end2:
_tile_overlayer_lowered:
.L_overlay_start_2:
0x9b: {  	(tag) =	ssettag $0x2  }
0x9c: {  	s0 =	rddreg [dreg:$0x0];
	s2 =	stileid.u32  }
0x9d: {  	s1 =	rddreg [dreg:$0x1];
	p0 =	sne.s32 s2, $0x0  }
0x9e: {  	s3 =	rddreg [dreg:$0x2];
	[bflag:$0x3] =	sbarrier.arrive $0xFFFF;
	s2 =	simm.s32 @!p0 $0x1C0B  }
0x9f: {  	[timem:s3], [sflag:s2] =	dma.local @!p0 [hbm:s0], s1  }
0xa0: {  	s0 =	simm.s32 @!p0 $0xB  }
0xa1: {  	_ =	swait.ge @!p0 [sflag:s0], s1  }
0xa2: {  	s1 =	ssub.s32 @!p0 $0x0, s1;
	[sflag:s0] =	ssyncset.done @!p0 $0x0  }
0xa3: {  	[sflag:s0] =	ssyncadd.s32 @!p0 s1  }
0xa4: {  	[bflag:$0x3] =	sbarrier.arrive $0xFFFF  }
0xa5: {  	_ =	shalt  }

</sc_bundles>
